<compile_context>
chip_gen: v7x
topology: tpu7x:2x2x1
jax: 0.10.2.dev20260603
libtpu: 0.0.44.dev20260713+nightly
codegen_flags: <defaults>
</compile_context>

<pallas_src>
import functools

import jax
import jax.numpy as jnp
from jax import lax
from jax.experimental import pallas as pl
from jax.experimental.pallas import tpu as pltpu
from jax.experimental.pallas import tpu_sc as plsc

_NC = 2
_NS = 16
_IDXW = 128
_K = 4
_CG = _K * _IDXW


@functools.partial(jax.jit, static_argnames=("n_rows", "d"))
def _gather_rows(idx2d, table, n_rows, d):
    nw = _NC * _NS
    per_w = n_rows // nw
    n_groups = per_w // _CG
    idx_rows_per_w = per_w // _IDXW

    mesh = plsc.VectorSubcoreMesh(
        core_axis_name="c", subcore_axis_name="s",
        num_cores=_NC, num_subcores=_NS,
    )

    @functools.partial(
        pl.kernel,
        mesh=mesh,
        out_type=jax.ShapeDtypeStruct((n_rows, d), jnp.float32),
        scratch_types=[
            pltpu.VMEM((idx_rows_per_w, _IDXW), jnp.int32),
            pltpu.VMEM((2, _CG, d), jnp.float32),
            pltpu.SemaphoreType.DMA,
            pltpu.SemaphoreType.DMA,
        ],
        compiler_params=pltpu.CompilerParams(use_tc_tiling_on_sc=False),
    )
    def emb_kernel(idx_hbm, table_hbm, out_hbm, idx_v, rows_v, gsem, osem):
        wid = lax.axis_index("s") * _NC + lax.axis_index("c")
        idx_row_base = wid * idx_rows_per_w
        out_base = idx_row_base * _IDXW

        pltpu.sync_copy(idx_hbm.at[pl.ds(idx_row_base, idx_rows_per_w), :],
                        idx_v)

        def fire(g, slot):
            for j in range(_K):
                pltpu.async_copy(
                    table_hbm.at[idx_v.at[g * _K + j]],
                    rows_v.at[slot, pl.ds(j * _IDXW, _IDXW)],
                    gsem,
                )

        def wait_gathers(slot):
            for j in range(_K):
                pltpu.make_async_copy(
                    table_hbm.at[idx_v.at[j]],
                    rows_v.at[slot, pl.ds(j * _IDXW, _IDXW)],
                    gsem,
                ).wait()

        def start_wb(g, slot):
            pltpu.async_copy(
                rows_v.at[slot],
                out_hbm.at[pl.ds(out_base + g * _CG, _CG)],
                osem,
            )

        def wait_wb(slot):
            pltpu.make_async_copy(
                rows_v.at[slot],
                out_hbm.at[pl.ds(out_base, _CG)],
                osem,
            ).wait()

        fire(0, 0)
        fire(1, 1)
        wait_gathers(0)
        start_wb(0, 0)

        def body(i, carry):
            gb = 1 + 2 * i
            for b in range(2):
                g = gb + b
                slot = (1 + b) % 2
                other = 1 - slot
                wait_wb(other)
                fire(g + 1, other)
                wait_gathers(slot)
                start_wb(g, slot)
            return carry

        lax.fori_loop(0, (n_groups - 2) // 2, body, 0)

        g_last = n_groups - 1
        slot = g_last % 2
        wait_gathers(slot)
        start_wb(g_last, slot)
        wait_wb(1 - slot)
        wait_wb(slot)

    return emb_kernel(idx2d, table)


def kernel(x, embedding):
    b, f = x.shape
    v, d = embedding.shape
    n = b * f
    idx2d = x.reshape(n // _IDXW, _IDXW).astype(jnp.int32)
    out = _gather_rows(idx2d, embedding, n, d)
    return out.reshape(b, f, d)

# --- scband reference (transcript-rebuilt; emitter-appended) ---
"""Pipeline reference for scband-embedding-layer-82214263980389 (READ-ONLY COPY).

The authoritative reference and input builder live on the scoring server;
editing this copy changes nothing except your own understanding.
"""

import jax, jax.numpy as jnp
import numpy as np

VOCAB = 1000000
D = 64
B = 16384
F = 26

def setup_inputs(seed: int = 0) -> dict:
    key = jax.random.key(seed)
    k1, k2 = jax.random.split(key)
    x = jax.random.randint(k1, (B, F), 0, VOCAB, dtype=jnp.int64) if jax.config.jax_enable_x64 else jax.random.randint(k1, (B, F), 0, VOCAB, dtype=jnp.int32)
    embedding = jax.random.normal(k2, (VOCAB, D), dtype=jnp.float32)
    return {"x": x, "embedding": embedding}

def reference(x, embedding):
    # Faithful translation of: return self.embedding[x]
    return jnp.take(embedding, x, axis=0)

if __name__ == "__main__":
    import jax
    _d = setup_inputs()
    print(jax.jit(kernel)(*tuple(_d.values())))

</pallas_src>

<mosaic_0001>
#map = affine_map<(d0, d1) -> (0, 0)>
module attributes {stable_mosaic.version = 14 : i64} {
  func.func @emb_kernel(%arg0: i32, %arg1: i32, %arg2: memref<3328x128xi32, #tpu.memory_space<hbm>>, %arg3: memref<1000000x64xf32, #tpu.memory_space<hbm>>, %arg4: memref<425984x64xf32, #tpu.memory_space<hbm>>, %arg5: memref<104x128xi32, #tpu.memory_space<vmem>>, %arg6: memref<2x512x64xf32, #tpu.memory_space<vmem>>, %arg7: memref<!tpu.dma_semaphore, #tpu.memory_space<semaphore_mem>>, %arg8: memref<!tpu.dma_semaphore, #tpu.memory_space<semaphore_mem>>) attributes {dimension_semantics = [#tpu.dimension_semantics<core_parallel>, #tpu.dimension_semantics<subcore_parallel>], iteration_bounds = array<i64: 2, 16>, scalar_prefetch = 0 : i64, scratch_operands = 4 : i64, tpu.core_type = #tpu.core_type<sc_vector_subcore>, window_params = [{transform_indices = #map}, {transform_indices = #map}, {transform_indices = #map}]} {
    %mul3A = arith.constant 2 : i32
    %mul3A_0 = arith.muli %arg1, %mul3A : i32
    %add3A = arith.addi %mul3A_0, %arg0 : i32
    %mul3A_1 = arith.constant 104 : i32
    %mul3A_2 = arith.muli %add3A, %mul3A_1 : i32
    %mul3A_3 = arith.constant 128 : i32
    %mul3A_4 = arith.muli %mul3A_2, %mul3A_3 : i32
    "tpu.region"() ({
      %run_scoped3A = tpu.sem_alloc : memref<!tpu.dma_semaphore, #tpu.memory_space<semaphore_mem>>
      %dma_start3A_256 = arith.constant 0 : i32
      %dma_start3A_257 = tpu.memref_slice %arg2[%mul3A_2, %dma_start3A_256] : memref<3328x128xi32, #tpu.memory_space<hbm>> -> memref<104x128xi32, #tpu.memory_space<hbm>>
      %dma_start3A_258 = arith.constant 0 : i32
      %dma_start3A_259 = tpu.memref_slice %arg2[%mul3A_2, %dma_start3A_258] : memref<3328x128xi32, #tpu.memory_space<hbm>> -> memref<104x128xi32, #tpu.memory_space<hbm>>
      tpu.enqueue_dma source(%dma_start3A_259 : memref<104x128xi32, #tpu.memory_space<hbm>>) target(%arg5 : memref<104x128xi32, #tpu.memory_space<vmem>>) target_semaphore(%run_scoped3A : memref<!tpu.dma_semaphore, #tpu.memory_space<semaphore_mem>>)
      %dma_wait3A_260 = arith.constant 0 : i32
      %dma_wait3A_261 = tpu.memref_slice %arg2[%mul3A_2, %dma_wait3A_260] : memref<3328x128xi32, #tpu.memory_space<hbm>> -> memref<104x128xi32, #tpu.memory_space<hbm>>
      %dma_wait3A_262 = arith.constant 0 : i32
      %dma_wait3A_263 = tpu.memref_slice %arg2[%mul3A_2, %dma_wait3A_262] : memref<3328x128xi32, #tpu.memory_space<hbm>> -> memref<104x128xi32, #tpu.memory_space<hbm>>
      tpu.wait_dma2 semaphore(%run_scoped3A : memref<!tpu.dma_semaphore, #tpu.memory_space<semaphore_mem>>) src(%dma_wait3A_263 : memref<104x128xi32, #tpu.memory_space<hbm>>) dst(%arg5 : memref<104x128xi32, #tpu.memory_space<vmem>>)
      tpu.yield
    }) : () -> ()
    %dma_start3A = arith.constant 0 : i32
    %dma_start3A_5 = arith.constant 0 : i32
    %dma_start3A_6 = arith.constant 0 : i32
    %dma_start3A_7 = arith.constant 0 : i32
    %dma_start3A_8 = tpu.memref_slice %arg6[%dma_start3A_5, %dma_start3A_6, %dma_start3A_7] : memref<2x512x64xf32, #tpu.memory_space<vmem>> -> memref<1x128x64xf32, #tpu.memory_space<vmem>>
    %dma_start3A_9 = tpu.memref_squeeze %dma_start3A_8 : memref<1x128x64xf32, #tpu.memory_space<vmem>> -> memref<128x64xf32, #tpu.memory_space<vmem>>
    %dma_start3A_10 = arith.constant 0 : i32
    %dma_start3A_11 = tpu.memref_slice %arg5[%dma_start3A, %dma_start3A_10] : memref<104x128xi32, #tpu.memory_space<vmem>> -> memref<1x128xi32, #tpu.memory_space<vmem>>
    %dma_start3A_12 = tpu.memref_squeeze %dma_start3A_11 : memref<1x128xi32, #tpu.memory_space<vmem>> -> memref<128xi32, #tpu.memory_space<vmem>>
    %dma_start3A_13 = arith.constant 0 : i32
    %dma_start3A_14 = arith.constant 0 : i32
    %dma_start3A_15 = tpu.memref_slice %arg3[%dma_start3A_13, %dma_start3A_14] : memref<1000000x64xf32, #tpu.memory_space<hbm>> -> memref<1000000x64xf32, #tpu.memory_space<hbm>>
    tpu.enqueue_indirect_dma source(%dma_start3A_15 : memref<1000000x64xf32, #tpu.memory_space<hbm>>) target(%dma_start3A_9 : memref<128x64xf32, #tpu.memory_space<vmem>>) offsets(%dma_start3A_12 : memref<128xi32, #tpu.memory_space<vmem>>) semaphore(%arg7 : memref<!tpu.dma_semaphore, #tpu.memory_space<semaphore_mem>>)
    %dma_start3A_16 = arith.constant 1 : i32
    %dma_start3A_17 = arith.constant 0 : i32
    %dma_start3A_18 = arith.constant 128 : i32
    %dma_start3A_19 = arith.constant 0 : i32
    %dma_start3A_20 = tpu.memref_slice %arg6[%dma_start3A_17, %dma_start3A_18, %dma_start3A_19] : memref<2x512x64xf32, #tpu.memory_space<vmem>> -> memref<1x128x64xf32, #tpu.memory_space<vmem>>
    %dma_start3A_21 = tpu.memref_squeeze %dma_start3A_20 : memref<1x128x64xf32, #tpu.memory_space<vmem>> -> memref<128x64xf32, #tpu.memory_space<vmem>>
    %dma_start3A_22 = arith.constant 0 : i32
    %dma_start3A_23 = tpu.memref_slice %arg5[%dma_start3A_16, %dma_start3A_22] : memref<104x128xi32, #tpu.memory_space<vmem>> -> memref<1x128xi32, #tpu.memory_space<vmem>>
    %dma_start3A_24 = tpu.memref_squeeze %dma_start3A_23 : memref<1x128xi32, #tpu.memory_space<vmem>> -> memref<128xi32, #tpu.memory_space<vmem>>
    %dma_start3A_25 = arith.constant 0 : i32
    %dma_start3A_26 = arith.constant 0 : i32
    %dma_start3A_27 = tpu.memref_slice %arg3[%dma_start3A_25, %dma_start3A_26] : memref<1000000x64xf32, #tpu.memory_space<hbm>> -> memref<1000000x64xf32, #tpu.memory_space<hbm>>
    tpu.enqueue_indirect_dma source(%dma_start3A_27 : memref<1000000x64xf32, #tpu.memory_space<hbm>>) target(%dma_start3A_21 : memref<128x64xf32, #tpu.memory_space<vmem>>) offsets(%dma_start3A_24 : memref<128xi32, #tpu.memory_space<vmem>>) semaphore(%arg7 : memref<!tpu.dma_semaphore, #tpu.memory_space<semaphore_mem>>)
    %dma_start3A_28 = arith.constant 2 : i32
    %dma_start3A_29 = arith.constant 0 : i32
    %dma_start3A_30 = arith.constant 256 : i32
    %dma_start3A_31 = arith.constant 0 : i32
    %dma_start3A_32 = tpu.memref_slice %arg6[%dma_start3A_29, %dma_start3A_30, %dma_start3A_31] : memref<2x512x64xf32, #tpu.memory_space<vmem>> -> memref<1x128x64xf32, #tpu.memory_space<vmem>>
    %dma_start3A_33 = tpu.memref_squeeze %dma_start3A_32 : memref<1x128x64xf32, #tpu.memory_space<vmem>> -> memref<128x64xf32, #tpu.memory_space<vmem>>
    %dma_start3A_34 = arith.constant 0 : i32
    %dma_start3A_35 = tpu.memref_slice %arg5[%dma_start3A_28, %dma_start3A_34] : memref<104x128xi32, #tpu.memory_space<vmem>> -> memref<1x128xi32, #tpu.memory_space<vmem>>
    %dma_start3A_36 = tpu.memref_squeeze %dma_start3A_35 : memref<1x128xi32, #tpu.memory_space<vmem>> -> memref<128xi32, #tpu.memory_space<vmem>>
    %dma_start3A_37 = arith.constant 0 : i32
    %dma_start3A_38 = arith.constant 0 : i32
    %dma_start3A_39 = tpu.memref_slice %arg3[%dma_start3A_37, %dma_start3A_38] : memref<1000000x64xf32, #tpu.memory_space<hbm>> -> memref<1000000x64xf32, #tpu.memory_space<hbm>>
    tpu.enqueue_indirect_dma source(%dma_start3A_39 : memref<1000000x64xf32, #tpu.memory_space<hbm>>) target(%dma_start3A_33 : memref<128x64xf32, #tpu.memory_space<vmem>>) offsets(%dma_start3A_36 : memref<128xi32, #tpu.memory_space<vmem>>) semaphore(%arg7 : memref<!tpu.dma_semaphore, #tpu.memory_space<semaphore_mem>>)
    %dma_start3A_40 = arith.constant 3 : i32
    %dma_start3A_41 = arith.constant 0 : i32
    %dma_start3A_42 = arith.constant 384 : i32
    %dma_start3A_43 = arith.constant 0 : i32
    %dma_start3A_44 = tpu.memref_slice %arg6[%dma_start3A_41, %dma_start3A_42, %dma_start3A_43] : memref<2x512x64xf32, #tpu.memory_space<vmem>> -> memref<1x128x64xf32, #tpu.memory_space<vmem>>
    %dma_start3A_45 = tpu.memref_squeeze %dma_start3A_44 : memref<1x128x64xf32, #tpu.memory_space<vmem>> -> memref<128x64xf32, #tpu.memory_space<vmem>>
    %dma_start3A_46 = arith.constant 0 : i32
    %dma_start3A_47 = tpu.memref_slice %arg5[%dma_start3A_40, %dma_start3A_46] : memref<104x128xi32, #tpu.memory_space<vmem>> -> memref<1x128xi32, #tpu.memory_space<vmem>>
    %dma_start3A_48 = tpu.memref_squeeze %dma_start3A_47 : memref<1x128xi32, #tpu.memory_space<vmem>> -> memref<128xi32, #tpu.memory_space<vmem>>
    %dma_start3A_49 = arith.constant 0 : i32
    %dma_start3A_50 = arith.constant 0 : i32
    %dma_start3A_51 = tpu.memref_slice %arg3[%dma_start3A_49, %dma_start3A_50] : memref<1000000x64xf32, #tpu.memory_space<hbm>> -> memref<1000000x64xf32, #tpu.memory_space<hbm>>
    tpu.enqueue_indirect_dma source(%dma_start3A_51 : memref<1000000x64xf32, #tpu.memory_space<hbm>>) target(%dma_start3A_45 : memref<128x64xf32, #tpu.memory_space<vmem>>) offsets(%dma_start3A_48 : memref<128xi32, #tpu.memory_space<vmem>>) semaphore(%arg7 : memref<!tpu.dma_semaphore, #tpu.memory_space<semaphore_mem>>)
    %dma_start3A_52 = arith.constant 4 : i32
    %dma_start3A_53 = arith.constant 1 : i32
    %dma_start3A_54 = arith.constant 0 : i32
    %dma_start3A_55 = arith.constant 0 : i32
    %dma_start3A_56 = tpu.memref_slice %arg6[%dma_start3A_53, %dma_start3A_54, %dma_start3A_55] : memref<2x512x64xf32, #tpu.memory_space<vmem>> -> memref<1x128x64xf32, #tpu.memory_space<vmem>>
    %dma_start3A_57 = tpu.memref_squeeze %dma_start3A_56 : memref<1x128x64xf32, #tpu.memory_space<vmem>> -> memref<128x64xf32, #tpu.memory_space<vmem>>
    %dma_start3A_58 = arith.constant 0 : i32
    %dma_start3A_59 = tpu.memref_slice %arg5[%dma_start3A_52, %dma_start3A_58] : memref<104x128xi32, #tpu.memory_space<vmem>> -> memref<1x128xi32, #tpu.memory_space<vmem>>
    %dma_start3A_60 = tpu.memref_squeeze %dma_start3A_59 : memref<1x128xi32, #tpu.memory_space<vmem>> -> memref<128xi32, #tpu.memory_space<vmem>>
    %dma_start3A_61 = arith.constant 0 : i32
    %dma_start3A_62 = arith.constant 0 : i32
    %dma_start3A_63 = tpu.memref_slice %arg3[%dma_start3A_61, %dma_start3A_62] : memref<1000000x64xf32, #tpu.memory_space<hbm>> -> memref<1000000x64xf32, #tpu.memory_space<hbm>>
    tpu.enqueue_indirect_dma source(%dma_start3A_63 : memref<1000000x64xf32, #tpu.memory_space<hbm>>) target(%dma_start3A_57 : memref<128x64xf32, #tpu.memory_space<vmem>>) offsets(%dma_start3A_60 : memref<128xi32, #tpu.memory_space<vmem>>) semaphore(%arg7 : memref<!tpu.dma_semaphore, #tpu.memory_space<semaphore_mem>>)
    %dma_start3A_64 = arith.constant 5 : i32
    %dma_start3A_65 = arith.constant 1 : i32
    %dma_start3A_66 = arith.constant 128 : i32
    %dma_start3A_67 = arith.constant 0 : i32
    %dma_start3A_68 = tpu.memref_slice %arg6[%dma_start3A_65, %dma_start3A_66, %dma_start3A_67] : memref<2x512x64xf32, #tpu.memory_space<vmem>> -> memref<1x128x64xf32, #tpu.memory_space<vmem>>
    %dma_start3A_69 = tpu.memref_squeeze %dma_start3A_68 : memref<1x128x64xf32, #tpu.memory_space<vmem>> -> memref<128x64xf32, #tpu.memory_space<vmem>>
    %dma_start3A_70 = arith.constant 0 : i32
    %dma_start3A_71 = tpu.memref_slice %arg5[%dma_start3A_64, %dma_start3A_70] : memref<104x128xi32, #tpu.memory_space<vmem>> -> memref<1x128xi32, #tpu.memory_space<vmem>>
    %dma_start3A_72 = tpu.memref_squeeze %dma_start3A_71 : memref<1x128xi32, #tpu.memory_space<vmem>> -> memref<128xi32, #tpu.memory_space<vmem>>
    %dma_start3A_73 = arith.constant 0 : i32
    %dma_start3A_74 = arith.constant 0 : i32
    %dma_start3A_75 = tpu.memref_slice %arg3[%dma_start3A_73, %dma_start3A_74] : memref<1000000x64xf32, #tpu.memory_space<hbm>> -> memref<1000000x64xf32, #tpu.memory_space<hbm>>
    tpu.enqueue_indirect_dma source(%dma_start3A_75 : memref<1000000x64xf32, #tpu.memory_space<hbm>>) target(%dma_start3A_69 : memref<128x64xf32, #tpu.memory_space<vmem>>) offsets(%dma_start3A_72 : memref<128xi32, #tpu.memory_space<vmem>>) semaphore(%arg7 : memref<!tpu.dma_semaphore, #tpu.memory_space<semaphore_mem>>)
    %dma_start3A_76 = arith.constant 6 : i32
    %dma_start3A_77 = arith.constant 1 : i32
    %dma_start3A_78 = arith.constant 256 : i32
    %dma_start3A_79 = arith.constant 0 : i32
    %dma_start3A_80 = tpu.memref_slice %arg6[%dma_start3A_77, %dma_start3A_78, %dma_start3A_79] : memref<2x512x64xf32, #tpu.memory_space<vmem>> -> memref<1x128x64xf32, #tpu.memory_space<vmem>>
    %dma_start3A_81 = tpu.memref_squeeze %dma_start3A_80 : memref<1x128x64xf32, #tpu.memory_space<vmem>> -> memref<128x64xf32, #tpu.memory_space<vmem>>
    %dma_start3A_82 = arith.constant 0 : i32
    %dma_start3A_83 = tpu.memref_slice %arg5[%dma_start3A_76, %dma_start3A_82] : memref<104x128xi32, #tpu.memory_space<vmem>> -> memref<1x128xi32, #tpu.memory_space<vmem>>
    %dma_start3A_84 = tpu.memref_squeeze %dma_start3A_83 : memref<1x128xi32, #tpu.memory_space<vmem>> -> memref<128xi32, #tpu.memory_space<vmem>>
    %dma_start3A_85 = arith.constant 0 : i32
    %dma_start3A_86 = arith.constant 0 : i32
    %dma_start3A_87 = tpu.memref_slice %arg3[%dma_start3A_85, %dma_start3A_86] : memref<1000000x64xf32, #tpu.memory_space<hbm>> -> memref<1000000x64xf32, #tpu.memory_space<hbm>>
    tpu.enqueue_indirect_dma source(%dma_start3A_87 : memref<1000000x64xf32, #tpu.memory_space<hbm>>) target(%dma_start3A_81 : memref<128x64xf32, #tpu.memory_space<vmem>>) offsets(%dma_start3A_84 : memref<128xi32, #tpu.memory_space<vmem>>) semaphore(%arg7 : memref<!tpu.dma_semaphore, #tpu.memory_space<semaphore_mem>>)
    %dma_start3A_88 = arith.constant 7 : i32
    %dma_start3A_89 = arith.constant 1 : i32
    %dma_start3A_90 = arith.constant 384 : i32
    %dma_start3A_91 = arith.constant 0 : i32
    %dma_start3A_92 = tpu.memref_slice %arg6[%dma_start3A_89, %dma_start3A_90, %dma_start3A_91] : memref<2x512x64xf32, #tpu.memory_space<vmem>> -> memref<1x128x64xf32, #tpu.memory_space<vmem>>
    %dma_start3A_93 = tpu.memref_squeeze %dma_start3A_92 : memref<1x128x64xf32, #tpu.memory_space<vmem>> -> memref<128x64xf32, #tpu.memory_space<vmem>>
    %dma_start3A_94 = arith.constant 0 : i32
    %dma_start3A_95 = tpu.memref_slice %arg5[%dma_start3A_88, %dma_start3A_94] : memref<104x128xi32, #tpu.memory_space<vmem>> -> memref<1x128xi32, #tpu.memory_space<vmem>>
    %dma_start3A_96 = tpu.memref_squeeze %dma_start3A_95 : memref<1x128xi32, #tpu.memory_space<vmem>> -> memref<128xi32, #tpu.memory_space<vmem>>
    %dma_start3A_97 = arith.constant 0 : i32
    %dma_start3A_98 = arith.constant 0 : i32
    %dma_start3A_99 = tpu.memref_slice %arg3[%dma_start3A_97, %dma_start3A_98] : memref<1000000x64xf32, #tpu.memory_space<hbm>> -> memref<1000000x64xf32, #tpu.memory_space<hbm>>
    tpu.enqueue_indirect_dma source(%dma_start3A_99 : memref<1000000x64xf32, #tpu.memory_space<hbm>>) target(%dma_start3A_93 : memref<128x64xf32, #tpu.memory_space<vmem>>) offsets(%dma_start3A_96 : memref<128xi32, #tpu.memory_space<vmem>>) semaphore(%arg7 : memref<!tpu.dma_semaphore, #tpu.memory_space<semaphore_mem>>)
    %dma_wait3A = arith.constant 0 : i32
    %dma_wait3A_100 = arith.constant 0 : i32
    %dma_wait3A_101 = arith.constant 0 : i32
    %dma_wait3A_102 = arith.constant 0 : i32
    %dma_wait3A_103 = tpu.memref_slice %arg6[%dma_wait3A_100, %dma_wait3A_101, %dma_wait3A_102] : memref<2x512x64xf32, #tpu.memory_space<vmem>> -> memref<1x128x64xf32, #tpu.memory_space<vmem>>
    %dma_wait3A_104 = tpu.memref_squeeze %dma_wait3A_103 : memref<1x128x64xf32, #tpu.memory_space<vmem>> -> memref<128x64xf32, #tpu.memory_space<vmem>>
    %dma_wait3A_105 = arith.constant 0 : i32
    %dma_wait3A_106 = tpu.memref_slice %arg5[%dma_wait3A, %dma_wait3A_105] : memref<104x128xi32, #tpu.memory_space<vmem>> -> memref<1x128xi32, #tpu.memory_space<vmem>>
    %dma_wait3A_107 = tpu.memref_squeeze %dma_wait3A_106 : memref<1x128xi32, #tpu.memory_space<vmem>> -> memref<128xi32, #tpu.memory_space<vmem>>
    %dma_wait3A_108 = arith.constant 0 : i32
    %dma_wait3A_109 = arith.constant 0 : i32
    %dma_wait3A_110 = tpu.memref_slice %arg3[%dma_wait3A_108, %dma_wait3A_109] : memref<1000000x64xf32, #tpu.memory_space<hbm>> -> memref<1000000x64xf32, #tpu.memory_space<hbm>>
    tpu.wait_indirect_dma semaphore(%arg7 : memref<!tpu.dma_semaphore, #tpu.memory_space<semaphore_mem>>) src(%dma_wait3A_110 : memref<1000000x64xf32, #tpu.memory_space<hbm>>) dst(%dma_wait3A_104 : memref<128x64xf32, #tpu.memory_space<vmem>>)
    %dma_wait3A_111 = arith.constant 1 : i32
    %dma_wait3A_112 = arith.constant 0 : i32
    %dma_wait3A_113 = arith.constant 128 : i32
    %dma_wait3A_114 = arith.constant 0 : i32
    %dma_wait3A_115 = tpu.memref_slice %arg6[%dma_wait3A_112, %dma_wait3A_113, %dma_wait3A_114] : memref<2x512x64xf32, #tpu.memory_space<vmem>> -> memref<1x128x64xf32, #tpu.memory_space<vmem>>
    %dma_wait3A_116 = tpu.memref_squeeze %dma_wait3A_115 : memref<1x128x64xf32, #tpu.memory_space<vmem>> -> memref<128x64xf32, #tpu.memory_space<vmem>>
    %dma_wait3A_117 = arith.constant 0 : i32
    %dma_wait3A_118 = tpu.memref_slice %arg5[%dma_wait3A_111, %dma_wait3A_117] : memref<104x128xi32, #tpu.memory_space<vmem>> -> memref<1x128xi32, #tpu.memory_space<vmem>>
    %dma_wait3A_119 = tpu.memref_squeeze %dma_wait3A_118 : memref<1x128xi32, #tpu.memory_space<vmem>> -> memref<128xi32, #tpu.memory_space<vmem>>
    %dma_wait3A_120 = arith.constant 0 : i32
    %dma_wait3A_121 = arith.constant 0 : i32
    %dma_wait3A_122 = tpu.memref_slice %arg3[%dma_wait3A_120, %dma_wait3A_121] : memref<1000000x64xf32, #tpu.memory_space<hbm>> -> memref<1000000x64xf32, #tpu.memory_space<hbm>>
    tpu.wait_indirect_dma semaphore(%arg7 : memref<!tpu.dma_semaphore, #tpu.memory_space<semaphore_mem>>) src(%dma_wait3A_122 : memref<1000000x64xf32, #tpu.memory_space<hbm>>) dst(%dma_wait3A_116 : memref<128x64xf32, #tpu.memory_space<vmem>>)
    %dma_wait3A_123 = arith.constant 2 : i32
    %dma_wait3A_124 = arith.constant 0 : i32
    %dma_wait3A_125 = arith.constant 256 : i32
    %dma_wait3A_126 = arith.constant 0 : i32
    %dma_wait3A_127 = tpu.memref_slice %arg6[%dma_wait3A_124, %dma_wait3A_125, %dma_wait3A_126] : memref<2x512x64xf32, #tpu.memory_space<vmem>> -> memref<1x128x64xf32, #tpu.memory_space<vmem>>
    %dma_wait3A_128 = tpu.memref_squeeze %dma_wait3A_127 : memref<1x128x64xf32, #tpu.memory_space<vmem>> -> memref<128x64xf32, #tpu.memory_space<vmem>>
    %dma_wait3A_129 = arith.constant 0 : i32
    %dma_wait3A_130 = tpu.memref_slice %arg5[%dma_wait3A_123, %dma_wait3A_129] : memref<104x128xi32, #tpu.memory_space<vmem>> -> memref<1x128xi32, #tpu.memory_space<vmem>>
    %dma_wait3A_131 = tpu.memref_squeeze %dma_wait3A_130 : memref<1x128xi32, #tpu.memory_space<vmem>> -> memref<128xi32, #tpu.memory_space<vmem>>
    %dma_wait3A_132 = arith.constant 0 : i32
    %dma_wait3A_133 = arith.constant 0 : i32
    %dma_wait3A_134 = tpu.memref_slice %arg3[%dma_wait3A_132, %dma_wait3A_133] : memref<1000000x64xf32, #tpu.memory_space<hbm>> -> memref<1000000x64xf32, #tpu.memory_space<hbm>>
    tpu.wait_indirect_dma semaphore(%arg7 : memref<!tpu.dma_semaphore, #tpu.memory_space<semaphore_mem>>) src(%dma_wait3A_134 : memref<1000000x64xf32, #tpu.memory_space<hbm>>) dst(%dma_wait3A_128 : memref<128x64xf32, #tpu.memory_space<vmem>>)
    %dma_wait3A_135 = arith.constant 3 : i32
    %dma_wait3A_136 = arith.constant 0 : i32
    %dma_wait3A_137 = arith.constant 384 : i32
    %dma_wait3A_138 = arith.constant 0 : i32
    %dma_wait3A_139 = tpu.memref_slice %arg6[%dma_wait3A_136, %dma_wait3A_137, %dma_wait3A_138] : memref<2x512x64xf32, #tpu.memory_space<vmem>> -> memref<1x128x64xf32, #tpu.memory_space<vmem>>
    %dma_wait3A_140 = tpu.memref_squeeze %dma_wait3A_139 : memref<1x128x64xf32, #tpu.memory_space<vmem>> -> memref<128x64xf32, #tpu.memory_space<vmem>>
    %dma_wait3A_141 = arith.constant 0 : i32
    %dma_wait3A_142 = tpu.memref_slice %arg5[%dma_wait3A_135, %dma_wait3A_141] : memref<104x128xi32, #tpu.memory_space<vmem>> -> memref<1x128xi32, #tpu.memory_space<vmem>>
    %dma_wait3A_143 = tpu.memref_squeeze %dma_wait3A_142 : memref<1x128xi32, #tpu.memory_space<vmem>> -> memref<128xi32, #tpu.memory_space<vmem>>
    %dma_wait3A_144 = arith.constant 0 : i32
    %dma_wait3A_145 = arith.constant 0 : i32
    %dma_wait3A_146 = tpu.memref_slice %arg3[%dma_wait3A_144, %dma_wait3A_145] : memref<1000000x64xf32, #tpu.memory_space<hbm>> -> memref<1000000x64xf32, #tpu.memory_space<hbm>>
    tpu.wait_indirect_dma semaphore(%arg7 : memref<!tpu.dma_semaphore, #tpu.memory_space<semaphore_mem>>) src(%dma_wait3A_146 : memref<1000000x64xf32, #tpu.memory_space<hbm>>) dst(%dma_wait3A_140 : memref<128x64xf32, #tpu.memory_space<vmem>>)
    %add3A_147 = arith.constant 0 : i32
    %add3A_148 = arith.addi %mul3A_4, %add3A_147 : i32
    %dma_start3A_149 = arith.constant 0 : i32
    %dma_start3A_150 = arith.constant 0 : i32
    %dma_start3A_151 = arith.constant 0 : i32
    %dma_start3A_152 = tpu.memref_slice %arg6[%dma_start3A_149, %dma_start3A_150, %dma_start3A_151] : memref<2x512x64xf32, #tpu.memory_space<vmem>> -> memref<1x512x64xf32, #tpu.memory_space<vmem>>
    %dma_start3A_153 = tpu.memref_squeeze %dma_start3A_152 : memref<1x512x64xf32, #tpu.memory_space<vmem>> -> memref<512x64xf32, #tpu.memory_space<vmem>>
    %dma_start3A_154 = arith.constant 0 : i32
    %dma_start3A_155 = tpu.memref_slice %arg4[%add3A_148, %dma_start3A_154] : memref<425984x64xf32, #tpu.memory_space<hbm>> -> memref<512x64xf32, #tpu.memory_space<hbm>>
    %dma_start3A_156 = arith.constant 0 : i32
    %dma_start3A_157 = tpu.memref_slice %arg4[%add3A_148, %dma_start3A_156] : memref<425984x64xf32, #tpu.memory_space<hbm>> -> memref<512x64xf32, #tpu.memory_space<hbm>>
    %dma_start3A_158 = arith.constant 0 : i32
    %dma_start3A_159 = arith.constant 0 : i32
    %dma_start3A_160 = tpu.memref_slice %arg6[%dma_start3A_149, %dma_start3A_158, %dma_start3A_159] : memref<2x512x64xf32, #tpu.memory_space<vmem>> -> memref<1x512x64xf32, #tpu.memory_space<vmem>>
    %dma_start3A_161 = tpu.memref_squeeze %dma_start3A_160 : memref<1x512x64xf32, #tpu.memory_space<vmem>> -> memref<512x64xf32, #tpu.memory_space<vmem>>
    tpu.enqueue_dma source(%dma_start3A_161 : memref<512x64xf32, #tpu.memory_space<vmem>>) target(%dma_start3A_157 : memref<512x64xf32, #tpu.memory_space<hbm>>) target_semaphore(%arg8 : memref<!tpu.dma_semaphore, #tpu.memory_space<semaphore_mem>>)
    %scan3A = arith.constant 0 : i32
    %scan3A_162 = arith.constant 0 : i32
    %scan3A_163 = arith.constant 12 : i32
    %scan3A_164 = arith.addi %scan3A_162, %scan3A_163 : i32
    %scan3A_165 = arith.constant 1 : i32
    scf.for %scan3A_256 = %scan3A_162 to %scan3A_164 step %scan3A_165  : i32 {
      %mul3A_257 = arith.constant 2 : i32
      %mul3A_258 = arith.muli %mul3A_257, %scan3A_256 : i32
      %add3A_259 = arith.constant 1 : i32
      %add3A_260 = arith.addi %add3A_259, %mul3A_258 : i32
      %add3A_261 = arith.constant 0 : i32
      %add3A_262 = arith.addi %add3A_260, %add3A_261 : i32
      %dma_wait3A_263 = arith.constant 0 : i32
      %dma_wait3A_264 = arith.constant 0 : i32
      %dma_wait3A_265 = arith.constant 0 : i32
      %dma_wait3A_266 = tpu.memref_slice %arg6[%dma_wait3A_263, %dma_wait3A_264, %dma_wait3A_265] : memref<2x512x64xf32, #tpu.memory_space<vmem>> -> memref<1x512x64xf32, #tpu.memory_space<vmem>>
      %dma_wait3A_267 = tpu.memref_squeeze %dma_wait3A_266 : memref<1x512x64xf32, #tpu.memory_space<vmem>> -> memref<512x64xf32, #tpu.memory_space<vmem>>
      %dma_wait3A_268 = arith.constant 0 : i32
      %dma_wait3A_269 = tpu.memref_slice %arg4[%mul3A_4, %dma_wait3A_268] : memref<425984x64xf32, #tpu.memory_space<hbm>> -> memref<512x64xf32, #tpu.memory_space<hbm>>
      %dma_wait3A_270 = arith.constant 0 : i32
      %dma_wait3A_271 = tpu.memref_slice %arg4[%mul3A_4, %dma_wait3A_270] : memref<425984x64xf32, #tpu.memory_space<hbm>> -> memref<512x64xf32, #tpu.memory_space<hbm>>
      %dma_wait3A_272 = arith.constant 0 : i32
      %dma_wait3A_273 = arith.constant 0 : i32
      %dma_wait3A_274 = tpu.memref_slice %arg6[%dma_wait3A_263, %dma_wait3A_272, %dma_wait3A_273] : memref<2x512x64xf32, #tpu.memory_space<vmem>> -> memref<1x512x64xf32, #tpu.memory_space<vmem>>
      %dma_wait3A_275 = tpu.memref_squeeze %dma_wait3A_274 : memref<1x512x64xf32, #tpu.memory_space<vmem>> -> memref<512x64xf32, #tpu.memory_space<vmem>>
      tpu.wait_dma2 semaphore(%arg8 : memref<!tpu.dma_semaphore, #tpu.memory_space<semaphore_mem>>) src(%dma_wait3A_275 : memref<512x64xf32, #tpu.memory_space<vmem>>) dst(%dma_wait3A_271 : memref<512x64xf32, #tpu.memory_space<hbm>>)
      %add3A_276 = arith.constant 1 : i32
      %add3A_277 = arith.addi %add3A_262, %add3A_276 : i32
      %mul3A_278 = arith.constant 4 : i32
      %mul3A_279 = arith.muli %add3A_277, %mul3A_278 : i32
      %add3A_280 = arith.constant 0 : i32
      %add3A_281 = arith.addi %mul3A_279, %add3A_280 : i32
      %dma_start3A_282 = arith.constant 0 : i32
      %dma_start3A_283 = arith.constant 0 : i32
      %dma_start3A_284 = arith.constant 0 : i32
      %dma_start3A_285 = tpu.memref_slice %arg6[%dma_start3A_282, %dma_start3A_283, %dma_start3A_284] : memref<2x512x64xf32, #tpu.memory_space<vmem>> -> memref<1x128x64xf32, #tpu.memory_space<vmem>>
      %dma_start3A_286 = tpu.memref_squeeze %dma_start3A_285 : memref<1x128x64xf32, #tpu.memory_space<vmem>> -> memref<128x64xf32, #tpu.memory_space<vmem>>
      %dma_start3A_287 = arith.constant 0 : i32
      %dma_start3A_288 = tpu.memref_slice %arg5[%add3A_281, %dma_start3A_287] : memref<104x128xi32, #tpu.memory_space<vmem>> -> memref<1x128xi32, #tpu.memory_space<vmem>>
      %dma_start3A_289 = tpu.memref_squeeze %dma_start3A_288 : memref<1x128xi32, #tpu.memory_space<vmem>> -> memref<128xi32, #tpu.memory_space<vmem>>
      %dma_start3A_290 = arith.constant 0 : i32
      %dma_start3A_291 = arith.constant 0 : i32
      %dma_start3A_292 = tpu.memref_slice %arg3[%dma_start3A_290, %dma_start3A_291] : memref<1000000x64xf32, #tpu.memory_space<hbm>> -> memref<1000000x64xf32, #tpu.memory_space<hbm>>
      tpu.enqueue_indirect_dma source(%dma_start3A_292 : memref<1000000x64xf32, #tpu.memory_space<hbm>>) target(%dma_start3A_286 : memref<128x64xf32, #tpu.memory_space<vmem>>) offsets(%dma_start3A_289 : memref<128xi32, #tpu.memory_space<vmem>>) semaphore(%arg7 : memref<!tpu.dma_semaphore, #tpu.memory_space<semaphore_mem>>)
      %mul3A_293 = arith.constant 4 : i32
      %mul3A_294 = arith.muli %add3A_277, %mul3A_293 : i32
      %add3A_295 = arith.constant 1 : i32
      %add3A_296 = arith.addi %mul3A_294, %add3A_295 : i32
      %dma_start3A_297 = arith.constant 0 : i32
      %dma_start3A_298 = arith.constant 128 : i32
      %dma_start3A_299 = arith.constant 0 : i32
      %dma_start3A_300 = tpu.memref_slice %arg6[%dma_start3A_297, %dma_start3A_298, %dma_start3A_299] : memref<2x512x64xf32, #tpu.memory_space<vmem>> -> memref<1x128x64xf32, #tpu.memory_space<vmem>>
      %dma_start3A_301 = tpu.memref_squeeze %dma_start3A_300 : memref<1x128x64xf32, #tpu.memory_space<vmem>> -> memref<128x64xf32, #tpu.memory_space<vmem>>
      %dma_start3A_302 = arith.constant 0 : i32
      %dma_start3A_303 = tpu.memref_slice %arg5[%add3A_296, %dma_start3A_302] : memref<104x128xi32, #tpu.memory_space<vmem>> -> memref<1x128xi32, #tpu.memory_space<vmem>>
      %dma_start3A_304 = tpu.memref_squeeze %dma_start3A_303 : memref<1x128xi32, #tpu.memory_space<vmem>> -> memref<128xi32, #tpu.memory_space<vmem>>
      %dma_start3A_305 = arith.constant 0 : i32
      %dma_start3A_306 = arith.constant 0 : i32
      %dma_start3A_307 = tpu.memref_slice %arg3[%dma_start3A_305, %dma_start3A_306] : memref<1000000x64xf32, #tpu.memory_space<hbm>> -> memref<1000000x64xf32, #tpu.memory_space<hbm>>
      tpu.enqueue_indirect_dma source(%dma_start3A_307 : memref<1000000x64xf32, #tpu.memory_space<hbm>>) target(%dma_start3A_301 : memref<128x64xf32, #tpu.memory_space<vmem>>) offsets(%dma_start3A_304 : memref<128xi32, #tpu.memory_space<vmem>>) semaphore(%arg7 : memref<!tpu.dma_semaphore, #tpu.memory_space<semaphore_mem>>)
      %mul3A_308 = arith.constant 4 : i32
      %mul3A_309 = arith.muli %add3A_277, %mul3A_308 : i32
      %add3A_310 = arith.constant 2 : i32
      %add3A_311 = arith.addi %mul3A_309, %add3A_310 : i32
      %dma_start3A_312 = arith.constant 0 : i32
      %dma_start3A_313 = arith.constant 256 : i32
      %dma_start3A_314 = arith.constant 0 : i32
      %dma_start3A_315 = tpu.memref_slice %arg6[%dma_start3A_312, %dma_start3A_313, %dma_start3A_314] : memref<2x512x64xf32, #tpu.memory_space<vmem>> -> memref<1x128x64xf32, #tpu.memory_space<vmem>>
      %dma_start3A_316 = tpu.memref_squeeze %dma_start3A_315 : memref<1x128x64xf32, #tpu.memory_space<vmem>> -> memref<128x64xf32, #tpu.memory_space<vmem>>
      %dma_start3A_317 = arith.constant 0 : i32
      %dma_start3A_318 = tpu.memref_slice %arg5[%add3A_311, %dma_start3A_317] : memref<104x128xi32, #tpu.memory_space<vmem>> -> memref<1x128xi32, #tpu.memory_space<vmem>>
      %dma_start3A_319 = tpu.memref_squeeze %dma_start3A_318 : memref<1x128xi32, #tpu.memory_space<vmem>> -> memref<128xi32, #tpu.memory_space<vmem>>
      %dma_start3A_320 = arith.constant 0 : i32
      %dma_start3A_321 = arith.constant 0 : i32
      %dma_start3A_322 = tpu.memref_slice %arg3[%dma_start3A_320, %dma_start3A_321] : memref<1000000x64xf32, #tpu.memory_space<hbm>> -> memref<1000000x64xf32, #tpu.memory_space<hbm>>
      tpu.enqueue_indirect_dma source(%dma_start3A_322 : memref<1000000x64xf32, #tpu.memory_space<hbm>>) target(%dma_start3A_316 : memref<128x64xf32, #tpu.memory_space<vmem>>) offsets(%dma_start3A_319 : memref<128xi32, #tpu.memory_space<vmem>>) semaphore(%arg7 : memref<!tpu.dma_semaphore, #tpu.memory_space<semaphore_mem>>)
      %mul3A_323 = arith.constant 4 : i32
      %mul3A_324 = arith.muli %add3A_277, %mul3A_323 : i32
      %add3A_325 = arith.constant 3 : i32
      %add3A_326 = arith.addi %mul3A_324, %add3A_325 : i32
      %dma_start3A_327 = arith.constant 0 : i32
      %dma_start3A_328 = arith.constant 384 : i32
      %dma_start3A_329 = arith.constant 0 : i32
      %dma_start3A_330 = tpu.memref_slice %arg6[%dma_start3A_327, %dma_start3A_328, %dma_start3A_329] : memref<2x512x64xf32, #tpu.memory_space<vmem>> -> memref<1x128x64xf32, #tpu.memory_space<vmem>>
      %dma_start3A_331 = tpu.memref_squeeze %dma_start3A_330 : memref<1x128x64xf32, #tpu.memory_space<vmem>> -> memref<128x64xf32, #tpu.memory_space<vmem>>
      %dma_start3A_332 = arith.constant 0 : i32
      %dma_start3A_333 = tpu.memref_slice %arg5[%add3A_326, %dma_start3A_332] : memref<104x128xi32, #tpu.memory_space<vmem>> -> memref<1x128xi32, #tpu.memory_space<vmem>>
      %dma_start3A_334 = tpu.memref_squeeze %dma_start3A_333 : memref<1x128xi32, #tpu.memory_space<vmem>> -> memref<128xi32, #tpu.memory_space<vmem>>
      %dma_start3A_335 = arith.constant 0 : i32
      %dma_start3A_336 = arith.constant 0 : i32
      %dma_start3A_337 = tpu.memref_slice %arg3[%dma_start3A_335, %dma_start3A_336] : memref<1000000x64xf32, #tpu.memory_space<hbm>> -> memref<1000000x64xf32, #tpu.memory_space<hbm>>
      tpu.enqueue_indirect_dma source(%dma_start3A_337 : memref<1000000x64xf32, #tpu.memory_space<hbm>>) target(%dma_start3A_331 : memref<128x64xf32, #tpu.memory_space<vmem>>) offsets(%dma_start3A_334 : memref<128xi32, #tpu.memory_space<vmem>>) semaphore(%arg7 : memref<!tpu.dma_semaphore, #tpu.memory_space<semaphore_mem>>)
      %dma_wait3A_338 = arith.constant 0 : i32
      %dma_wait3A_339 = arith.constant 1 : i32
      %dma_wait3A_340 = arith.constant 0 : i32
      %dma_wait3A_341 = arith.constant 0 : i32
      %dma_wait3A_342 = tpu.memref_slice %arg6[%dma_wait3A_339, %dma_wait3A_340, %dma_wait3A_341] : memref<2x512x64xf32, #tpu.memory_space<vmem>> -> memref<1x128x64xf32, #tpu.memory_space<vmem>>
      %dma_wait3A_343 = tpu.memref_squeeze %dma_wait3A_342 : memref<1x128x64xf32, #tpu.memory_space<vmem>> -> memref<128x64xf32, #tpu.memory_space<vmem>>
      %dma_wait3A_344 = arith.constant 0 : i32
      %dma_wait3A_345 = tpu.memref_slice %arg5[%dma_wait3A_338, %dma_wait3A_344] : memref<104x128xi32, #tpu.memory_space<vmem>> -> memref<1x128xi32, #tpu.memory_space<vmem>>
      %dma_wait3A_346 = tpu.memref_squeeze %dma_wait3A_345 : memref<1x128xi32, #tpu.memory_space<vmem>> -> memref<128xi32, #tpu.memory_space<vmem>>
      %dma_wait3A_347 = arith.constant 0 : i32
      %dma_wait3A_348 = arith.constant 0 : i32
      %dma_wait3A_349 = tpu.memref_slice %arg3[%dma_wait3A_347, %dma_wait3A_348] : memref<1000000x64xf32, #tpu.memory_space<hbm>> -> memref<1000000x64xf32, #tpu.memory_space<hbm>>
      tpu.wait_indirect_dma semaphore(%arg7 : memref<!tpu.dma_semaphore, #tpu.memory_space<semaphore_mem>>) src(%dma_wait3A_349 : memref<1000000x64xf32, #tpu.memory_space<hbm>>) dst(%dma_wait3A_343 : memref<128x64xf32, #tpu.memory_space<vmem>>)
      %dma_wait3A_350 = arith.constant 1 : i32
      %dma_wait3A_351 = arith.constant 1 : i32
      %dma_wait3A_352 = arith.constant 128 : i32
      %dma_wait3A_353 = arith.constant 0 : i32
      %dma_wait3A_354 = tpu.memref_slice %arg6[%dma_wait3A_351, %dma_wait3A_352, %dma_wait3A_353] : memref<2x512x64xf32, #tpu.memory_space<vmem>> -> memref<1x128x64xf32, #tpu.memory_space<vmem>>
      %dma_wait3A_355 = tpu.memref_squeeze %dma_wait3A_354 : memref<1x128x64xf32, #tpu.memory_space<vmem>> -> memref<128x64xf32, #tpu.memory_space<vmem>>
      %dma_wait3A_356 = arith.constant 0 : i32
      %dma_wait3A_357 = tpu.memref_slice %arg5[%dma_wait3A_350, %dma_wait3A_356] : memref<104x128xi32, #tpu.memory_space<vmem>> -> memref<1x128xi32, #tpu.memory_space<vmem>>
      %dma_wait3A_358 = tpu.memref_squeeze %dma_wait3A_357 : memref<1x128xi32, #tpu.memory_space<vmem>> -> memref<128xi32, #tpu.memory_space<vmem>>
      %dma_wait3A_359 = arith.constant 0 : i32
      %dma_wait3A_360 = arith.constant 0 : i32
      %dma_wait3A_361 = tpu.memref_slice %arg3[%dma_wait3A_359, %dma_wait3A_360] : memref<1000000x64xf32, #tpu.memory_space<hbm>> -> memref<1000000x64xf32, #tpu.memory_space<hbm>>
      tpu.wait_indirect_dma semaphore(%arg7 : memref<!tpu.dma_semaphore, #tpu.memory_space<semaphore_mem>>) src(%dma_wait3A_361 : memref<1000000x64xf32, #tpu.memory_space<hbm>>) dst(%dma_wait3A_355 : memref<128x64xf32, #tpu.memory_space<vmem>>)
      %dma_wait3A_362 = arith.constant 2 : i32
      %dma_wait3A_363 = arith.constant 1 : i32
      %dma_wait3A_364 = arith.constant 256 : i32
      %dma_wait3A_365 = arith.constant 0 : i32
      %dma_wait3A_366 = tpu.memref_slice %arg6[%dma_wait3A_363, %dma_wait3A_364, %dma_wait3A_365] : memref<2x512x64xf32, #tpu.memory_space<vmem>> -> memref<1x128x64xf32, #tpu.memory_space<vmem>>
      %dma_wait3A_367 = tpu.memref_squeeze %dma_wait3A_366 : memref<1x128x64xf32, #tpu.memory_space<vmem>> -> memref<128x64xf32, #tpu.memory_space<vmem>>
      %dma_wait3A_368 = arith.constant 0 : i32
      %dma_wait3A_369 = tpu.memref_slice %arg5[%dma_wait3A_362, %dma_wait3A_368] : memref<104x128xi32, #tpu.memory_space<vmem>> -> memref<1x128xi32, #tpu.memory_space<vmem>>
      %dma_wait3A_370 = tpu.memref_squeeze %dma_wait3A_369 : memref<1x128xi32, #tpu.memory_space<vmem>> -> memref<128xi32, #tpu.memory_space<vmem>>
      %dma_wait3A_371 = arith.constant 0 : i32
      %dma_wait3A_372 = arith.constant 0 : i32
      %dma_wait3A_373 = tpu.memref_slice %arg3[%dma_wait3A_371, %dma_wait3A_372] : memref<1000000x64xf32, #tpu.memory_space<hbm>> -> memref<1000000x64xf32, #tpu.memory_space<hbm>>
      tpu.wait_indirect_dma semaphore(%arg7 : memref<!tpu.dma_semaphore, #tpu.memory_space<semaphore_mem>>) src(%dma_wait3A_373 : memref<1000000x64xf32, #tpu.memory_space<hbm>>) dst(%dma_wait3A_367 : memref<128x64xf32, #tpu.memory_space<vmem>>)
      %dma_wait3A_374 = arith.constant 3 : i32
      %dma_wait3A_375 = arith.constant 1 : i32
      %dma_wait3A_376 = arith.constant 384 : i32
      %dma_wait3A_377 = arith.constant 0 : i32
      %dma_wait3A_378 = tpu.memref_slice %arg6[%dma_wait3A_375, %dma_wait3A_376, %dma_wait3A_377] : memref<2x512x64xf32, #tpu.memory_space<vmem>> -> memref<1x128x64xf32, #tpu.memory_space<vmem>>
      %dma_wait3A_379 = tpu.memref_squeeze %dma_wait3A_378 : memref<1x128x64xf32, #tpu.memory_space<vmem>> -> memref<128x64xf32, #tpu.memory_space<vmem>>
      %dma_wait3A_380 = arith.constant 0 : i32
      %dma_wait3A_381 = tpu.memref_slice %arg5[%dma_wait3A_374, %dma_wait3A_380] : memref<104x128xi32, #tpu.memory_space<vmem>> -> memref<1x128xi32, #tpu.memory_space<vmem>>
      %dma_wait3A_382 = tpu.memref_squeeze %dma_wait3A_381 : memref<1x128xi32, #tpu.memory_space<vmem>> -> memref<128xi32, #tpu.memory_space<vmem>>
      %dma_wait3A_383 = arith.constant 0 : i32
      %dma_wait3A_384 = arith.constant 0 : i32
      %dma_wait3A_385 = tpu.memref_slice %arg3[%dma_wait3A_383, %dma_wait3A_384] : memref<1000000x64xf32, #tpu.memory_space<hbm>> -> memref<1000000x64xf32, #tpu.memory_space<hbm>>
      tpu.wait_indirect_dma semaphore(%arg7 : memref<!tpu.dma_semaphore, #tpu.memory_space<semaphore_mem>>) src(%dma_wait3A_385 : memref<1000000x64xf32, #tpu.memory_space<hbm>>) dst(%dma_wait3A_379 : memref<128x64xf32, #tpu.memory_space<vmem>>)
      %mul3A_386 = arith.constant 512 : i32
      %mul3A_387 = arith.muli %add3A_262, %mul3A_386 : i32
      %add3A_388 = arith.addi %mul3A_4, %mul3A_387 : i32
      %dma_start3A_389 = arith.constant 1 : i32
      %dma_start3A_390 = arith.constant 0 : i32
      %dma_start3A_391 = arith.constant 0 : i32
      %dma_start3A_392 = tpu.memref_slice %arg6[%dma_start3A_389, %dma_start3A_390, %dma_start3A_391] : memref<2x512x64xf32, #tpu.memory_space<vmem>> -> memref<1x512x64xf32, #tpu.memory_space<vmem>>
      %dma_start3A_393 = tpu.memref_squeeze %dma_start3A_392 : memref<1x512x64xf32, #tpu.memory_space<vmem>> -> memref<512x64xf32, #tpu.memory_space<vmem>>
      %dma_start3A_394 = arith.constant 0 : i32
      %dma_start3A_395 = tpu.memref_slice %arg4[%add3A_388, %dma_start3A_394] : memref<425984x64xf32, #tpu.memory_space<hbm>> -> memref<512x64xf32, #tpu.memory_space<hbm>>
      %dma_start3A_396 = arith.constant 0 : i32
      %dma_start3A_397 = tpu.memref_slice %arg4[%add3A_388, %dma_start3A_396] : memref<425984x64xf32, #tpu.memory_space<hbm>> -> memref<512x64xf32, #tpu.memory_space<hbm>>
      %dma_start3A_398 = arith.constant 0 : i32
      %dma_start3A_399 = arith.constant 0 : i32
      %dma_start3A_400 = tpu.memref_slice %arg6[%dma_start3A_389, %dma_start3A_398, %dma_start3A_399] : memref<2x512x64xf32, #tpu.memory_space<vmem>> -> memref<1x512x64xf32, #tpu.memory_space<vmem>>
      %dma_start3A_401 = tpu.memref_squeeze %dma_start3A_400 : memref<1x512x64xf32, #tpu.memory_space<vmem>> -> memref<512x64xf32, #tpu.memory_space<vmem>>
      tpu.enqueue_dma source(%dma_start3A_401 : memref<512x64xf32, #tpu.memory_space<vmem>>) target(%dma_start3A_397 : memref<512x64xf32, #tpu.memory_space<hbm>>) target_semaphore(%arg8 : memref<!tpu.dma_semaphore, #tpu.memory_space<semaphore_mem>>)
      %add3A_402 = arith.constant 1 : i32
      %add3A_403 = arith.addi %add3A_260, %add3A_402 : i32
      %dma_wait3A_404 = arith.constant 1 : i32
      %dma_wait3A_405 = arith.constant 0 : i32
      %dma_wait3A_406 = arith.constant 0 : i32
      %dma_wait3A_407 = tpu.memref_slice %arg6[%dma_wait3A_404, %dma_wait3A_405, %dma_wait3A_406] : memref<2x512x64xf32, #tpu.memory_space<vmem>> -> memref<1x512x64xf32, #tpu.memory_space<vmem>>
      %dma_wait3A_408 = tpu.memref_squeeze %dma_wait3A_407 : memref<1x512x64xf32, #tpu.memory_space<vmem>> -> memref<512x64xf32, #tpu.memory_space<vmem>>
      %dma_wait3A_409 = arith.constant 0 : i32
      %dma_wait3A_410 = tpu.memref_slice %arg4[%mul3A_4, %dma_wait3A_409] : memref<425984x64xf32, #tpu.memory_space<hbm>> -> memref<512x64xf32, #tpu.memory_space<hbm>>
      %dma_wait3A_411 = arith.constant 0 : i32
      %dma_wait3A_412 = tpu.memref_slice %arg4[%mul3A_4, %dma_wait3A_411] : memref<425984x64xf32, #tpu.memory_space<hbm>> -> memref<512x64xf32, #tpu.memory_space<hbm>>
      %dma_wait3A_413 = arith.constant 0 : i32
      %dma_wait3A_414 = arith.constant 0 : i32
      %dma_wait3A_415 = tpu.memref_slice %arg6[%dma_wait3A_404, %dma_wait3A_413, %dma_wait3A_414] : memref<2x512x64xf32, #tpu.memory_space<vmem>> -> memref<1x512x64xf32, #tpu.memory_space<vmem>>
      %dma_wait3A_416 = tpu.memref_squeeze %dma_wait3A_415 : memref<1x512x64xf32, #tpu.memory_space<vmem>> -> memref<512x64xf32, #tpu.memory_space<vmem>>
      tpu.wait_dma2 semaphore(%arg8 : memref<!tpu.dma_semaphore, #tpu.memory_space<semaphore_mem>>) src(%dma_wait3A_416 : memref<512x64xf32, #tpu.memory_space<vmem>>) dst(%dma_wait3A_412 : memref<512x64xf32, #tpu.memory_space<hbm>>)
      %add3A_417 = arith.constant 1 : i32
      %add3A_418 = arith.addi %add3A_403, %add3A_417 : i32
      %mul3A_419 = arith.constant 4 : i32
      %mul3A_420 = arith.muli %add3A_418, %mul3A_419 : i32
      %add3A_421 = arith.constant 0 : i32
      %add3A_422 = arith.addi %mul3A_420, %add3A_421 : i32
      %dma_start3A_423 = arith.constant 1 : i32
      %dma_start3A_424 = arith.constant 0 : i32
      %dma_start3A_425 = arith.constant 0 : i32
      %dma_start3A_426 = tpu.memref_slice %arg6[%dma_start3A_423, %dma_start3A_424, %dma_start3A_425] : memref<2x512x64xf32, #tpu.memory_space<vmem>> -> memref<1x128x64xf32, #tpu.memory_space<vmem>>
      %dma_start3A_427 = tpu.memref_squeeze %dma_start3A_426 : memref<1x128x64xf32, #tpu.memory_space<vmem>> -> memref<128x64xf32, #tpu.memory_space<vmem>>
      %dma_start3A_428 = arith.constant 0 : i32
      %dma_start3A_429 = tpu.memref_slice %arg5[%add3A_422, %dma_start3A_428] : memref<104x128xi32, #tpu.memory_space<vmem>> -> memref<1x128xi32, #tpu.memory_space<vmem>>
      %dma_start3A_430 = tpu.memref_squeeze %dma_start3A_429 : memref<1x128xi32, #tpu.memory_space<vmem>> -> memref<128xi32, #tpu.memory_space<vmem>>
      %dma_start3A_431 = arith.constant 0 : i32
      %dma_start3A_432 = arith.constant 0 : i32
      %dma_start3A_433 = tpu.memref_slice %arg3[%dma_start3A_431, %dma_start3A_432] : memref<1000000x64xf32, #tpu.memory_space<hbm>> -> memref<1000000x64xf32, #tpu.memory_space<hbm>>
      tpu.enqueue_indirect_dma source(%dma_start3A_433 : memref<1000000x64xf32, #tpu.memory_space<hbm>>) target(%dma_start3A_427 : memref<128x64xf32, #tpu.memory_space<vmem>>) offsets(%dma_start3A_430 : memref<128xi32, #tpu.memory_space<vmem>>) semaphore(%arg7 : memref<!tpu.dma_semaphore, #tpu.memory_space<semaphore_mem>>)
      %mul3A_434 = arith.constant 4 : i32
      %mul3A_435 = arith.muli %add3A_418, %mul3A_434 : i32
      %add3A_436 = arith.constant 1 : i32
      %add3A_437 = arith.addi %mul3A_435, %add3A_436 : i32
      %dma_start3A_438 = arith.constant 1 : i32
      %dma_start3A_439 = arith.constant 128 : i32
      %dma_start3A_440 = arith.constant 0 : i32
      %dma_start3A_441 = tpu.memref_slice %arg6[%dma_start3A_438, %dma_start3A_439, %dma_start3A_440] : memref<2x512x64xf32, #tpu.memory_space<vmem>> -> memref<1x128x64xf32, #tpu.memory_space<vmem>>
      %dma_start3A_442 = tpu.memref_squeeze %dma_start3A_441 : memref<1x128x64xf32, #tpu.memory_space<vmem>> -> memref<128x64xf32, #tpu.memory_space<vmem>>
      %dma_start3A_443 = arith.constant 0 : i32
      %dma_start3A_444 = tpu.memref_slice %arg5[%add3A_437, %dma_start3A_443] : memref<104x128xi32, #tpu.memory_space<vmem>> -> memref<1x128xi32, #tpu.memory_space<vmem>>
      %dma_start3A_445 = tpu.memref_squeeze %dma_start3A_444 : memref<1x128xi32, #tpu.memory_space<vmem>> -> memref<128xi32, #tpu.memory_space<vmem>>
      %dma_start3A_446 = arith.constant 0 : i32
      %dma_start3A_447 = arith.constant 0 : i32
      %dma_start3A_448 = tpu.memref_slice %arg3[%dma_start3A_446, %dma_start3A_447] : memref<1000000x64xf32, #tpu.memory_space<hbm>> -> memref<1000000x64xf32, #tpu.memory_space<hbm>>
      tpu.enqueue_indirect_dma source(%dma_start3A_448 : memref<1000000x64xf32, #tpu.memory_space<hbm>>) target(%dma_start3A_442 : memref<128x64xf32, #tpu.memory_space<vmem>>) offsets(%dma_start3A_445 : memref<128xi32, #tpu.memory_space<vmem>>) semaphore(%arg7 : memref<!tpu.dma_semaphore, #tpu.memory_space<semaphore_mem>>)
      %mul3A_449 = arith.constant 4 : i32
      %mul3A_450 = arith.muli %add3A_418, %mul3A_449 : i32
      %add3A_451 = arith.constant 2 : i32
      %add3A_452 = arith.addi %mul3A_450, %add3A_451 : i32
      %dma_start3A_453 = arith.constant 1 : i32
      %dma_start3A_454 = arith.constant 256 : i32
      %dma_start3A_455 = arith.constant 0 : i32
      %dma_start3A_456 = tpu.memref_slice %arg6[%dma_start3A_453, %dma_start3A_454, %dma_start3A_455] : memref<2x512x64xf32, #tpu.memory_space<vmem>> -> memref<1x128x64xf32, #tpu.memory_space<vmem>>
      %dma_start3A_457 = tpu.memref_squeeze %dma_start3A_456 : memref<1x128x64xf32, #tpu.memory_space<vmem>> -> memref<128x64xf32, #tpu.memory_space<vmem>>
      %dma_start3A_458 = arith.constant 0 : i32
      %dma_start3A_459 = tpu.memref_slice %arg5[%add3A_452, %dma_start3A_458] : memref<104x128xi32, #tpu.memory_space<vmem>> -> memref<1x128xi32, #tpu.memory_space<vmem>>
      %dma_start3A_460 = tpu.memref_squeeze %dma_start3A_459 : memref<1x128xi32, #tpu.memory_space<vmem>> -> memref<128xi32, #tpu.memory_space<vmem>>
      %dma_start3A_461 = arith.constant 0 : i32
      %dma_start3A_462 = arith.constant 0 : i32
      %dma_start3A_463 = tpu.memref_slice %arg3[%dma_start3A_461, %dma_start3A_462] : memref<1000000x64xf32, #tpu.memory_space<hbm>> -> memref<1000000x64xf32, #tpu.memory_space<hbm>>
      tpu.enqueue_indirect_dma source(%dma_start3A_463 : memref<1000000x64xf32, #tpu.memory_space<hbm>>) target(%dma_start3A_457 : memref<128x64xf32, #tpu.memory_space<vmem>>) offsets(%dma_start3A_460 : memref<128xi32, #tpu.memory_space<vmem>>) semaphore(%arg7 : memref<!tpu.dma_semaphore, #tpu.memory_space<semaphore_mem>>)
      %mul3A_464 = arith.constant 4 : i32
      %mul3A_465 = arith.muli %add3A_418, %mul3A_464 : i32
      %add3A_466 = arith.constant 3 : i32
      %add3A_467 = arith.addi %mul3A_465, %add3A_466 : i32
      %dma_start3A_468 = arith.constant 1 : i32
      %dma_start3A_469 = arith.constant 384 : i32
      %dma_start3A_470 = arith.constant 0 : i32
      %dma_start3A_471 = tpu.memref_slice %arg6[%dma_start3A_468, %dma_start3A_469, %dma_start3A_470] : memref<2x512x64xf32, #tpu.memory_space<vmem>> -> memref<1x128x64xf32, #tpu.memory_space<vmem>>
      %dma_start3A_472 = tpu.memref_squeeze %dma_start3A_471 : memref<1x128x64xf32, #tpu.memory_space<vmem>> -> memref<128x64xf32, #tpu.memory_space<vmem>>
      %dma_start3A_473 = arith.constant 0 : i32
      %dma_start3A_474 = tpu.memref_slice %arg5[%add3A_467, %dma_start3A_473] : memref<104x128xi32, #tpu.memory_space<vmem>> -> memref<1x128xi32, #tpu.memory_space<vmem>>
      %dma_start3A_475 = tpu.memref_squeeze %dma_start3A_474 : memref<1x128xi32, #tpu.memory_space<vmem>> -> memref<128xi32, #tpu.memory_space<vmem>>
      %dma_start3A_476 = arith.constant 0 : i32
      %dma_start3A_477 = arith.constant 0 : i32
      %dma_start3A_478 = tpu.memref_slice %arg3[%dma_start3A_476, %dma_start3A_477] : memref<1000000x64xf32, #tpu.memory_space<hbm>> -> memref<1000000x64xf32, #tpu.memory_space<hbm>>
      tpu.enqueue_indirect_dma source(%dma_start3A_478 : memref<1000000x64xf32, #tpu.memory_space<hbm>>) target(%dma_start3A_472 : memref<128x64xf32, #tpu.memory_space<vmem>>) offsets(%dma_start3A_475 : memref<128xi32, #tpu.memory_space<vmem>>) semaphore(%arg7 : memref<!tpu.dma_semaphore, #tpu.memory_space<semaphore_mem>>)
      %dma_wait3A_479 = arith.constant 0 : i32
      %dma_wait3A_480 = arith.constant 0 : i32
      %dma_wait3A_481 = arith.constant 0 : i32
      %dma_wait3A_482 = arith.constant 0 : i32
      %dma_wait3A_483 = tpu.memref_slice %arg6[%dma_wait3A_480, %dma_wait3A_481, %dma_wait3A_482] : memref<2x512x64xf32, #tpu.memory_space<vmem>> -> memref<1x128x64xf32, #tpu.memory_space<vmem>>
      %dma_wait3A_484 = tpu.memref_squeeze %dma_wait3A_483 : memref<1x128x64xf32, #tpu.memory_space<vmem>> -> memref<128x64xf32, #tpu.memory_space<vmem>>
      %dma_wait3A_485 = arith.constant 0 : i32
      %dma_wait3A_486 = tpu.memref_slice %arg5[%dma_wait3A_479, %dma_wait3A_485] : memref<104x128xi32, #tpu.memory_space<vmem>> -> memref<1x128xi32, #tpu.memory_space<vmem>>
      %dma_wait3A_487 = tpu.memref_squeeze %dma_wait3A_486 : memref<1x128xi32, #tpu.memory_space<vmem>> -> memref<128xi32, #tpu.memory_space<vmem>>
      %dma_wait3A_488 = arith.constant 0 : i32
      %dma_wait3A_489 = arith.constant 0 : i32
      %dma_wait3A_490 = tpu.memref_slice %arg3[%dma_wait3A_488, %dma_wait3A_489] : memref<1000000x64xf32, #tpu.memory_space<hbm>> -> memref<1000000x64xf32, #tpu.memory_space<hbm>>
      tpu.wait_indirect_dma semaphore(%arg7 : memref<!tpu.dma_semaphore, #tpu.memory_space<semaphore_mem>>) src(%dma_wait3A_490 : memref<1000000x64xf32, #tpu.memory_space<hbm>>) dst(%dma_wait3A_484 : memref<128x64xf32, #tpu.memory_space<vmem>>)
      %dma_wait3A_491 = arith.constant 1 : i32
      %dma_wait3A_492 = arith.constant 0 : i32
      %dma_wait3A_493 = arith.constant 128 : i32
      %dma_wait3A_494 = arith.constant 0 : i32
      %dma_wait3A_495 = tpu.memref_slice %arg6[%dma_wait3A_492, %dma_wait3A_493, %dma_wait3A_494] : memref<2x512x64xf32, #tpu.memory_space<vmem>> -> memref<1x128x64xf32, #tpu.memory_space<vmem>>
      %dma_wait3A_496 = tpu.memref_squeeze %dma_wait3A_495 : memref<1x128x64xf32, #tpu.memory_space<vmem>> -> memref<128x64xf32, #tpu.memory_space<vmem>>
      %dma_wait3A_497 = arith.constant 0 : i32
      %dma_wait3A_498 = tpu.memref_slice %arg5[%dma_wait3A_491, %dma_wait3A_497] : memref<104x128xi32, #tpu.memory_space<vmem>> -> memref<1x128xi32, #tpu.memory_space<vmem>>
      %dma_wait3A_499 = tpu.memref_squeeze %dma_wait3A_498 : memref<1x128xi32, #tpu.memory_space<vmem>> -> memref<128xi32, #tpu.memory_space<vmem>>
      %dma_wait3A_500 = arith.constant 0 : i32
      %dma_wait3A_501 = arith.constant 0 : i32
      %dma_wait3A_502 = tpu.memref_slice %arg3[%dma_wait3A_500, %dma_wait3A_501] : memref<1000000x64xf32, #tpu.memory_space<hbm>> -> memref<1000000x64xf32, #tpu.memory_space<hbm>>
      tpu.wait_indirect_dma semaphore(%arg7 : memref<!tpu.dma_semaphore, #tpu.memory_space<semaphore_mem>>) src(%dma_wait3A_502 : memref<1000000x64xf32, #tpu.memory_space<hbm>>) dst(%dma_wait3A_496 : memref<128x64xf32, #tpu.memory_space<vmem>>)
      %dma_wait3A_503 = arith.constant 2 : i32
      %dma_wait3A_504 = arith.constant 0 : i32
      %dma_wait3A_505 = arith.constant 256 : i32
      %dma_wait3A_506 = arith.constant 0 : i32
      %dma_wait3A_507 = tpu.memref_slice %arg6[%dma_wait3A_504, %dma_wait3A_505, %dma_wait3A_506] : memref<2x512x64xf32, #tpu.memory_space<vmem>> -> memref<1x128x64xf32, #tpu.memory_space<vmem>>
      %dma_wait3A_508 = tpu.memref_squeeze %dma_wait3A_507 : memref<1x128x64xf32, #tpu.memory_space<vmem>> -> memref<128x64xf32, #tpu.memory_space<vmem>>
      %dma_wait3A_509 = arith.constant 0 : i32
      %dma_wait3A_510 = tpu.memref_slice %arg5[%dma_wait3A_503, %dma_wait3A_509] : memref<104x128xi32, #tpu.memory_space<vmem>> -> memref<1x128xi32, #tpu.memory_space<vmem>>
      %dma_wait3A_511 = tpu.memref_squeeze %dma_wait3A_510 : memref<1x128xi32, #tpu.memory_space<vmem>> -> memref<128xi32, #tpu.memory_space<vmem>>
      %dma_wait3A_512 = arith.constant 0 : i32
      %dma_wait3A_513 = arith.constant 0 : i32
      %dma_wait3A_514 = tpu.memref_slice %arg3[%dma_wait3A_512, %dma_wait3A_513] : memref<1000000x64xf32, #tpu.memory_space<hbm>> -> memref<1000000x64xf32, #tpu.memory_space<hbm>>
      tpu.wait_indirect_dma semaphore(%arg7 : memref<!tpu.dma_semaphore, #tpu.memory_space<semaphore_mem>>) src(%dma_wait3A_514 : memref<1000000x64xf32, #tpu.memory_space<hbm>>) dst(%dma_wait3A_508 : memref<128x64xf32, #tpu.memory_space<vmem>>)
      %dma_wait3A_515 = arith.constant 3 : i32
      %dma_wait3A_516 = arith.constant 0 : i32
      %dma_wait3A_517 = arith.constant 384 : i32
      %dma_wait3A_518 = arith.constant 0 : i32
      %dma_wait3A_519 = tpu.memref_slice %arg6[%dma_wait3A_516, %dma_wait3A_517, %dma_wait3A_518] : memref<2x512x64xf32, #tpu.memory_space<vmem>> -> memref<1x128x64xf32, #tpu.memory_space<vmem>>
      %dma_wait3A_520 = tpu.memref_squeeze %dma_wait3A_519 : memref<1x128x64xf32, #tpu.memory_space<vmem>> -> memref<128x64xf32, #tpu.memory_space<vmem>>
      %dma_wait3A_521 = arith.constant 0 : i32
      %dma_wait3A_522 = tpu.memref_slice %arg5[%dma_wait3A_515, %dma_wait3A_521] : memref<104x128xi32, #tpu.memory_space<vmem>> -> memref<1x128xi32, #tpu.memory_space<vmem>>
      %dma_wait3A_523 = tpu.memref_squeeze %dma_wait3A_522 : memref<1x128xi32, #tpu.memory_space<vmem>> -> memref<128xi32, #tpu.memory_space<vmem>>
      %dma_wait3A_524 = arith.constant 0 : i32
      %dma_wait3A_525 = arith.constant 0 : i32
      %dma_wait3A_526 = tpu.memref_slice %arg3[%dma_wait3A_524, %dma_wait3A_525] : memref<1000000x64xf32, #tpu.memory_space<hbm>> -> memref<1000000x64xf32, #tpu.memory_space<hbm>>
      tpu.wait_indirect_dma semaphore(%arg7 : memref<!tpu.dma_semaphore, #tpu.memory_space<semaphore_mem>>) src(%dma_wait3A_526 : memref<1000000x64xf32, #tpu.memory_space<hbm>>) dst(%dma_wait3A_520 : memref<128x64xf32, #tpu.memory_space<vmem>>)
      %mul3A_527 = arith.constant 512 : i32
      %mul3A_528 = arith.muli %add3A_403, %mul3A_527 : i32
      %add3A_529 = arith.addi %mul3A_4, %mul3A_528 : i32
      %dma_start3A_530 = arith.constant 0 : i32
      %dma_start3A_531 = arith.constant 0 : i32
      %dma_start3A_532 = arith.constant 0 : i32
      %dma_start3A_533 = tpu.memref_slice %arg6[%dma_start3A_530, %dma_start3A_531, %dma_start3A_532] : memref<2x512x64xf32, #tpu.memory_space<vmem>> -> memref<1x512x64xf32, #tpu.memory_space<vmem>>
      %dma_start3A_534 = tpu.memref_squeeze %dma_start3A_533 : memref<1x512x64xf32, #tpu.memory_space<vmem>> -> memref<512x64xf32, #tpu.memory_space<vmem>>
      %dma_start3A_535 = arith.constant 0 : i32
      %dma_start3A_536 = tpu.memref_slice %arg4[%add3A_529, %dma_start3A_535] : memref<425984x64xf32, #tpu.memory_space<hbm>> -> memref<512x64xf32, #tpu.memory_space<hbm>>
      %dma_start3A_537 = arith.constant 0 : i32
      %dma_start3A_538 = tpu.memref_slice %arg4[%add3A_529, %dma_start3A_537] : memref<425984x64xf32, #tpu.memory_space<hbm>> -> memref<512x64xf32, #tpu.memory_space<hbm>>
      %dma_start3A_539 = arith.constant 0 : i32
      %dma_start3A_540 = arith.constant 0 : i32
      %dma_start3A_541 = tpu.memref_slice %arg6[%dma_start3A_530, %dma_start3A_539, %dma_start3A_540] : memref<2x512x64xf32, #tpu.memory_space<vmem>> -> memref<1x512x64xf32, #tpu.memory_space<vmem>>
      %dma_start3A_542 = tpu.memref_squeeze %dma_start3A_541 : memref<1x512x64xf32, #tpu.memory_space<vmem>> -> memref<512x64xf32, #tpu.memory_space<vmem>>
      tpu.enqueue_dma source(%dma_start3A_542 : memref<512x64xf32, #tpu.memory_space<vmem>>) target(%dma_start3A_538 : memref<512x64xf32, #tpu.memory_space<hbm>>) target_semaphore(%arg8 : memref<!tpu.dma_semaphore, #tpu.memory_space<semaphore_mem>>)
    }
    %scan3A_166 = arith.constant 12 : i32
    %dma_wait3A_167 = arith.constant 0 : i32
    %dma_wait3A_168 = arith.constant 1 : i32
    %dma_wait3A_169 = arith.constant 0 : i32
    %dma_wait3A_170 = arith.constant 0 : i32
    %dma_wait3A_171 = tpu.memref_slice %arg6[%dma_wait3A_168, %dma_wait3A_169, %dma_wait3A_170] : memref<2x512x64xf32, #tpu.memory_space<vmem>> -> memref<1x128x64xf32, #tpu.memory_space<vmem>>
    %dma_wait3A_172 = tpu.memref_squeeze %dma_wait3A_171 : memref<1x128x64xf32, #tpu.memory_space<vmem>> -> memref<128x64xf32, #tpu.memory_space<vmem>>
    %dma_wait3A_173 = arith.constant 0 : i32
    %dma_wait3A_174 = tpu.memref_slice %arg5[%dma_wait3A_167, %dma_wait3A_173] : memref<104x128xi32, #tpu.memory_space<vmem>> -> memref<1x128xi32, #tpu.memory_space<vmem>>
    %dma_wait3A_175 = tpu.memref_squeeze %dma_wait3A_174 : memref<1x128xi32, #tpu.memory_space<vmem>> -> memref<128xi32, #tpu.memory_space<vmem>>
    %dma_wait3A_176 = arith.constant 0 : i32
    %dma_wait3A_177 = arith.constant 0 : i32
    %dma_wait3A_178 = tpu.memref_slice %arg3[%dma_wait3A_176, %dma_wait3A_177] : memref<1000000x64xf32, #tpu.memory_space<hbm>> -> memref<1000000x64xf32, #tpu.memory_space<hbm>>
    tpu.wait_indirect_dma semaphore(%arg7 : memref<!tpu.dma_semaphore, #tpu.memory_space<semaphore_mem>>) src(%dma_wait3A_178 : memref<1000000x64xf32, #tpu.memory_space<hbm>>) dst(%dma_wait3A_172 : memref<128x64xf32, #tpu.memory_space<vmem>>)
    %dma_wait3A_179 = arith.constant 1 : i32
    %dma_wait3A_180 = arith.constant 1 : i32
    %dma_wait3A_181 = arith.constant 128 : i32
    %dma_wait3A_182 = arith.constant 0 : i32
    %dma_wait3A_183 = tpu.memref_slice %arg6[%dma_wait3A_180, %dma_wait3A_181, %dma_wait3A_182] : memref<2x512x64xf32, #tpu.memory_space<vmem>> -> memref<1x128x64xf32, #tpu.memory_space<vmem>>
    %dma_wait3A_184 = tpu.memref_squeeze %dma_wait3A_183 : memref<1x128x64xf32, #tpu.memory_space<vmem>> -> memref<128x64xf32, #tpu.memory_space<vmem>>
    %dma_wait3A_185 = arith.constant 0 : i32
    %dma_wait3A_186 = tpu.memref_slice %arg5[%dma_wait3A_179, %dma_wait3A_185] : memref<104x128xi32, #tpu.memory_space<vmem>> -> memref<1x128xi32, #tpu.memory_space<vmem>>
    %dma_wait3A_187 = tpu.memref_squeeze %dma_wait3A_186 : memref<1x128xi32, #tpu.memory_space<vmem>> -> memref<128xi32, #tpu.memory_space<vmem>>
    %dma_wait3A_188 = arith.constant 0 : i32
    %dma_wait3A_189 = arith.constant 0 : i32
    %dma_wait3A_190 = tpu.memref_slice %arg3[%dma_wait3A_188, %dma_wait3A_189] : memref<1000000x64xf32, #tpu.memory_space<hbm>> -> memref<1000000x64xf32, #tpu.memory_space<hbm>>
    tpu.wait_indirect_dma semaphore(%arg7 : memref<!tpu.dma_semaphore, #tpu.memory_space<semaphore_mem>>) src(%dma_wait3A_190 : memref<1000000x64xf32, #tpu.memory_space<hbm>>) dst(%dma_wait3A_184 : memref<128x64xf32, #tpu.memory_space<vmem>>)
    %dma_wait3A_191 = arith.constant 2 : i32
    %dma_wait3A_192 = arith.constant 1 : i32
    %dma_wait3A_193 = arith.constant 256 : i32
    %dma_wait3A_194 = arith.constant 0 : i32
    %dma_wait3A_195 = tpu.memref_slice %arg6[%dma_wait3A_192, %dma_wait3A_193, %dma_wait3A_194] : memref<2x512x64xf32, #tpu.memory_space<vmem>> -> memref<1x128x64xf32, #tpu.memory_space<vmem>>
    %dma_wait3A_196 = tpu.memref_squeeze %dma_wait3A_195 : memref<1x128x64xf32, #tpu.memory_space<vmem>> -> memref<128x64xf32, #tpu.memory_space<vmem>>
    %dma_wait3A_197 = arith.constant 0 : i32
    %dma_wait3A_198 = tpu.memref_slice %arg5[%dma_wait3A_191, %dma_wait3A_197] : memref<104x128xi32, #tpu.memory_space<vmem>> -> memref<1x128xi32, #tpu.memory_space<vmem>>
    %dma_wait3A_199 = tpu.memref_squeeze %dma_wait3A_198 : memref<1x128xi32, #tpu.memory_space<vmem>> -> memref<128xi32, #tpu.memory_space<vmem>>
    %dma_wait3A_200 = arith.constant 0 : i32
    %dma_wait3A_201 = arith.constant 0 : i32
    %dma_wait3A_202 = tpu.memref_slice %arg3[%dma_wait3A_200, %dma_wait3A_201] : memref<1000000x64xf32, #tpu.memory_space<hbm>> -> memref<1000000x64xf32, #tpu.memory_space<hbm>>
    tpu.wait_indirect_dma semaphore(%arg7 : memref<!tpu.dma_semaphore, #tpu.memory_space<semaphore_mem>>) src(%dma_wait3A_202 : memref<1000000x64xf32, #tpu.memory_space<hbm>>) dst(%dma_wait3A_196 : memref<128x64xf32, #tpu.memory_space<vmem>>)
    %dma_wait3A_203 = arith.constant 3 : i32
    %dma_wait3A_204 = arith.constant 1 : i32
    %dma_wait3A_205 = arith.constant 384 : i32
    %dma_wait3A_206 = arith.constant 0 : i32
    %dma_wait3A_207 = tpu.memref_slice %arg6[%dma_wait3A_204, %dma_wait3A_205, %dma_wait3A_206] : memref<2x512x64xf32, #tpu.memory_space<vmem>> -> memref<1x128x64xf32, #tpu.memory_space<vmem>>
    %dma_wait3A_208 = tpu.memref_squeeze %dma_wait3A_207 : memref<1x128x64xf32, #tpu.memory_space<vmem>> -> memref<128x64xf32, #tpu.memory_space<vmem>>
    %dma_wait3A_209 = arith.constant 0 : i32
    %dma_wait3A_210 = tpu.memref_slice %arg5[%dma_wait3A_203, %dma_wait3A_209] : memref<104x128xi32, #tpu.memory_space<vmem>> -> memref<1x128xi32, #tpu.memory_space<vmem>>
    %dma_wait3A_211 = tpu.memref_squeeze %dma_wait3A_210 : memref<1x128xi32, #tpu.memory_space<vmem>> -> memref<128xi32, #tpu.memory_space<vmem>>
    %dma_wait3A_212 = arith.constant 0 : i32
    %dma_wait3A_213 = arith.constant 0 : i32
    %dma_wait3A_214 = tpu.memref_slice %arg3[%dma_wait3A_212, %dma_wait3A_213] : memref<1000000x64xf32, #tpu.memory_space<hbm>> -> memref<1000000x64xf32, #tpu.memory_space<hbm>>
    tpu.wait_indirect_dma semaphore(%arg7 : memref<!tpu.dma_semaphore, #tpu.memory_space<semaphore_mem>>) src(%dma_wait3A_214 : memref<1000000x64xf32, #tpu.memory_space<hbm>>) dst(%dma_wait3A_208 : memref<128x64xf32, #tpu.memory_space<vmem>>)
    %add3A_215 = arith.constant 12800 : i32
    %add3A_216 = arith.addi %mul3A_4, %add3A_215 : i32
    %dma_start3A_217 = arith.constant 1 : i32
    %dma_start3A_218 = arith.constant 0 : i32
    %dma_start3A_219 = arith.constant 0 : i32
    %dma_start3A_220 = tpu.memref_slice %arg6[%dma_start3A_217, %dma_start3A_218, %dma_start3A_219] : memref<2x512x64xf32, #tpu.memory_space<vmem>> -> memref<1x512x64xf32, #tpu.memory_space<vmem>>
    %dma_start3A_221 = tpu.memref_squeeze %dma_start3A_220 : memref<1x512x64xf32, #tpu.memory_space<vmem>> -> memref<512x64xf32, #tpu.memory_space<vmem>>
    %dma_start3A_222 = arith.constant 0 : i32
    %dma_start3A_223 = tpu.memref_slice %arg4[%add3A_216, %dma_start3A_222] : memref<425984x64xf32, #tpu.memory_space<hbm>> -> memref<512x64xf32, #tpu.memory_space<hbm>>
    %dma_start3A_224 = arith.constant 0 : i32
    %dma_start3A_225 = tpu.memref_slice %arg4[%add3A_216, %dma_start3A_224] : memref<425984x64xf32, #tpu.memory_space<hbm>> -> memref<512x64xf32, #tpu.memory_space<hbm>>
    %dma_start3A_226 = arith.constant 0 : i32
    %dma_start3A_227 = arith.constant 0 : i32
    %dma_start3A_228 = tpu.memref_slice %arg6[%dma_start3A_217, %dma_start3A_226, %dma_start3A_227] : memref<2x512x64xf32, #tpu.memory_space<vmem>> -> memref<1x512x64xf32, #tpu.memory_space<vmem>>
    %dma_start3A_229 = tpu.memref_squeeze %dma_start3A_228 : memref<1x512x64xf32, #tpu.memory_space<vmem>> -> memref<512x64xf32, #tpu.memory_space<vmem>>
    tpu.enqueue_dma source(%dma_start3A_229 : memref<512x64xf32, #tpu.memory_space<vmem>>) target(%dma_start3A_225 : memref<512x64xf32, #tpu.memory_space<hbm>>) target_semaphore(%arg8 : memref<!tpu.dma_semaphore, #tpu.memory_space<semaphore_mem>>)
    %dma_wait3A_230 = arith.constant 0 : i32
    %dma_wait3A_231 = arith.constant 0 : i32
    %dma_wait3A_232 = arith.constant 0 : i32
    %dma_wait3A_233 = tpu.memref_slice %arg6[%dma_wait3A_230, %dma_wait3A_231, %dma_wait3A_232] : memref<2x512x64xf32, #tpu.memory_space<vmem>> -> memref<1x512x64xf32, #tpu.memory_space<vmem>>
    %dma_wait3A_234 = tpu.memref_squeeze %dma_wait3A_233 : memref<1x512x64xf32, #tpu.memory_space<vmem>> -> memref<512x64xf32, #tpu.memory_space<vmem>>
    %dma_wait3A_235 = arith.constant 0 : i32
    %dma_wait3A_236 = tpu.memref_slice %arg4[%mul3A_4, %dma_wait3A_235] : memref<425984x64xf32, #tpu.memory_space<hbm>> -> memref<512x64xf32, #tpu.memory_space<hbm>>
    %dma_wait3A_237 = arith.constant 0 : i32
    %dma_wait3A_238 = tpu.memref_slice %arg4[%mul3A_4, %dma_wait3A_237] : memref<425984x64xf32, #tpu.memory_space<hbm>> -> memref<512x64xf32, #tpu.memory_space<hbm>>
    %dma_wait3A_239 = arith.constant 0 : i32
    %dma_wait3A_240 = arith.constant 0 : i32
    %dma_wait3A_241 = tpu.memref_slice %arg6[%dma_wait3A_230, %dma_wait3A_239, %dma_wait3A_240] : memref<2x512x64xf32, #tpu.memory_space<vmem>> -> memref<1x512x64xf32, #tpu.memory_space<vmem>>
    %dma_wait3A_242 = tpu.memref_squeeze %dma_wait3A_241 : memref<1x512x64xf32, #tpu.memory_space<vmem>> -> memref<512x64xf32, #tpu.memory_space<vmem>>
    tpu.wait_dma2 semaphore(%arg8 : memref<!tpu.dma_semaphore, #tpu.memory_space<semaphore_mem>>) src(%dma_wait3A_242 : memref<512x64xf32, #tpu.memory_space<vmem>>) dst(%dma_wait3A_238 : memref<512x64xf32, #tpu.memory_space<hbm>>)
    %dma_wait3A_243 = arith.constant 1 : i32
    %dma_wait3A_244 = arith.constant 0 : i32
    %dma_wait3A_245 = arith.constant 0 : i32
    %dma_wait3A_246 = tpu.memref_slice %arg6[%dma_wait3A_243, %dma_wait3A_244, %dma_wait3A_245] : memref<2x512x64xf32, #tpu.memory_space<vmem>> -> memref<1x512x64xf32, #tpu.memory_space<vmem>>
    %dma_wait3A_247 = tpu.memref_squeeze %dma_wait3A_246 : memref<1x512x64xf32, #tpu.memory_space<vmem>> -> memref<512x64xf32, #tpu.memory_space<vmem>>
    %dma_wait3A_248 = arith.constant 0 : i32
    %dma_wait3A_249 = tpu.memref_slice %arg4[%mul3A_4, %dma_wait3A_248] : memref<425984x64xf32, #tpu.memory_space<hbm>> -> memref<512x64xf32, #tpu.memory_space<hbm>>
    %dma_wait3A_250 = arith.constant 0 : i32
    %dma_wait3A_251 = tpu.memref_slice %arg4[%mul3A_4, %dma_wait3A_250] : memref<425984x64xf32, #tpu.memory_space<hbm>> -> memref<512x64xf32, #tpu.memory_space<hbm>>
    %dma_wait3A_252 = arith.constant 0 : i32
    %dma_wait3A_253 = arith.constant 0 : i32
    %dma_wait3A_254 = tpu.memref_slice %arg6[%dma_wait3A_243, %dma_wait3A_252, %dma_wait3A_253] : memref<2x512x64xf32, #tpu.memory_space<vmem>> -> memref<1x512x64xf32, #tpu.memory_space<vmem>>
    %dma_wait3A_255 = tpu.memref_squeeze %dma_wait3A_254 : memref<1x512x64xf32, #tpu.memory_space<vmem>> -> memref<512x64xf32, #tpu.memory_space<vmem>>
    tpu.wait_dma2 semaphore(%arg8 : memref<!tpu.dma_semaphore, #tpu.memory_space<semaphore_mem>>) src(%dma_wait3A_255 : memref<512x64xf32, #tpu.memory_space<vmem>>) dst(%dma_wait3A_251 : memref<512x64xf32, #tpu.memory_space<hbm>>)
    return
  }
}

</mosaic_0001>

<sc_bundles>
// kernel: _gather_rows.3.cloned.1.call-start
scs
__scs_entry_jumppad:
0x0: {  	(pc) =	sbr.rel $0x88, $3  }
0x1: {  	(tag) =	ssettag $0x0;
	lr =	simm.s32 $0x1  }
0x2: {  	[smem:$0x3F9F] =	sst lr;
	_ =	strace $0xD0000000  }
0x3: {  	_ = 	snop  }
0x4: {  	_ = 	snop  }
0x5: {  	_ = 	snop  }
0x6: {  	_ = 	snop  }
0x7: {  	_ = 	snop  }
__scs_overlays_trampoline_lowered:
0x8: {  	[smem:$0x3FAE] =	sst s0  }
0x9: {  	[smem:$0x3FAF] =	sst s1  }
0xa: {  	[smem:$0x3FB0] =	sst s2  }
0xb: {  	[smem:$0x3FB1] =	sst s3  }
0xc: {  	[smem:$0x3FB2] =	sst s4  }
0xd: {  	[smem:$0x3FB3] =	sst s5  }
0xe: {  	[smem:$0x3FB4] =	sst s6  }
0xf: {  	[smem:$0x3FB5] =	sst s7  }
0x10: {  	[smem:$0x3FB6] =	sst s8  }
0x11: {  	[smem:$0x3FB7] =	sst s9;
	s0 =	simm.s32 @!p0 $0x0  }
0x12: {  	s1 =	sld [smem:$0x3F9D];
	s0 =	simm.s32 @p0 $0x1  }
0x13: {  	[smem:$0x3FB8] =	sst s0;
	s0 =	simm.s32 @!p1 $0x0  }
0x14: {  	s2 =	sld [smem:$0x3F9C];
	s0 =	simm.s32 @p1 $0x1  }
0x15: {  	[smem:$0x3FB9] =	sst s0;
	s0 =	simm.s32 @!p2 $0x0  }
0x16: {  	s3 =	sld [smem:$0x3FDB];
	s0 =	simm.s32 @p2 $0x1  }
0x17: {  	s4 =	simm.s32 $0x1BF5;
	[smem:$0x3FBB] =	sst s0  }
0x18: {  	s0 =	sld [smem:$0x3F9E];
	_ =	swait.ge [sflag:s4], $0x0  }
0x19: {  	s7 =	sld [smem:$0x3F9F]  }
0x1a: {  	s8 =	sadd.s32 $0xFFFFE003, lr  }
0x1b: {  	s9 =	sadd.s32 $0xFFFFFEF7, lr;
	s5 =	simm.s32 $0xFFFFFFFF;
	p2 =	slt.u32 s8, $0xFFFFF086  }
0x1c: {  	p1 =	slt.u32 s9, $0xF7A;
	s5 =	simm.s32 @!p2 $0x0  }
0x1d: {  	s5 =	simm.s32 @p1 $0x1;
	p0 =	seq.s32 s7, s2  }
0x1e: {  	s7 =	smul.u32 @!p0 $0xF7A, s2;
	p2 =	seq.s32 @!p0 s5, $0x0  }
0x1f: {  	s9 =	smul.u32 $0xF7A, s1;
	s8 =	simm.s32 @!p0 $0x1BF5;
	p2 =	por !p2, p0  }
0x20: {  	[sflag:s8] =	ssyncset.s32 @!p0 $0xFFFFF086;
	s6 =	sadd.s32 @!p0 s3, s7;
	s7 =	simm.s32 @!p0 $0x108  }
0x21: {  	s3 =	sadd.s32 s3, s9;
	s6 =	sadd.s32 @!p0 $0x88, s6;
	s7 =	simm.s32 @p2 $0x1082  }
0x22: {  	[simem:s7], [sflag:s8] =	dma.local @!p0 [hbm:s6], $0xF7A  }
0x23: {  	s9 =	sor.u32 $0xD0000000, s2;
	s6 =	simm.s32 $0x108;
	_ =	swait.ge @!p0 [sflag:s8], $0x0  }
0x24: {  	s3 =	sadd.s32 $0x88, s3;
	s6 =	simm.s32 @!p1 $0x1082;
	[sflag:s4] =	ssyncset.s32 $0xFFFFF086  }
0x25: {  	[simem:s6], [sflag:s4] =	dma.local [hbm:s3], $0xF7A  }
0x26: {  	[smem:$0x3F9F] =	sst s1;
	(tag) =	ssettag s2;
	_ =	strace s9  }
0x27: {  	s1 =	sld [smem:$0x3FAF]  }
0x28: {  	s2 =	sld [smem:$0x3FB0]  }
0x29: {  	s4 =	sld [smem:$0x3FB2]  }
0x2a: {  	p0 =	seq.s32 s5, $0x0;
	s5 =	sld [smem:$0x3FB3]  }
0x2b: {  	s6 =	sld [smem:$0x3FB4]  }
0x2c: {  	s7 =	sld [smem:$0x3FB5]  }
0x2d: {  	s3 =	simm.s32 $0x108;
	s8 =	sld [smem:$0x3FB6]  }
0x2e: {  	s3 =	simm.s32 @!p0 $0x1082;
	s9 =	sld [smem:$0x3FB7]  }
0x2f: {  	lr =	sadd.s32 s0, s3;
	s0 =	sld [smem:$0x3FAE]  }
0x30: {  	s3 =	sld [smem:$0x3FB1]  }
0x31: {  	[smem:$0x3FBA] =	sst s10  }
0x32: {  	s10 =	sld [smem:$0x3FB8];
	_ =	sdelay $0x3  }
0x33: {  	p0 =	seq.s32 s10, $0x1;
	s10 =	sld [smem:$0x3FBA];
	_ =	sdelay $0x3  }
0x34: {  	[smem:$0x3FBA] =	sst s10  }
0x35: {  	s10 =	sld [smem:$0x3FB9];
	_ =	sdelay $0x3  }
0x36: {  	p1 =	seq.s32 s10, $0x1;
	s10 =	sld [smem:$0x3FBA];
	_ =	sdelay $0x3  }
0x37: {  	[smem:$0x3FBA] =	sst s10  }
0x38: {  	s10 =	sld [smem:$0x3FBB]  }
0x39: {  	_ = 	snop;
	(pc) =	sbr.ind lr, $3  }
0x3a: {  	_ = 	snop  }
0x3b: {  	_ = 	snop  }
0x3c: {  	p2 =	seq.s32 s10, $0x1;
	s10 =	sld [smem:$0x3FBA]  }
0x3d: {  	_ =	shalt  }
0x3e: {  	_ =	shalt  }
0x3f: {  	_ =	shalt  }
0x40: {  	_ =	shalt  }
0x41: {  	_ =	shalt  }
0x42: {  	_ =	shalt  }
0x43: {  	_ =	shalt  }
0x44: {  	_ =	shalt  }
0x45: {  	_ =	shalt  }
0x46: {  	_ =	shalt  }
0x47: {  	_ =	shalt  }
0x48: {  	_ =	shalt  }
0x49: {  	_ =	shalt  }
0x4a: {  	_ =	shalt  }
0x4b: {  	_ =	shalt  }
0x4c: {  	_ =	shalt  }
0x4d: {  	_ =	shalt  }
0x4e: {  	_ =	shalt  }
0x4f: {  	_ =	shalt  }
0x50: {  	_ =	shalt  }
0x51: {  	_ =	shalt  }
0x52: {  	_ =	shalt  }
0x53: {  	_ =	shalt  }
0x54: {  	_ =	shalt  }
0x55: {  	_ =	shalt  }
0x56: {  	_ =	shalt  }
0x57: {  	_ =	shalt  }
0x58: {  	_ =	shalt  }
0x59: {  	_ =	shalt  }
0x5a: {  	_ =	shalt  }
0x5b: {  	_ =	shalt  }
0x5c: {  	_ =	shalt  }
0x5d: {  	_ =	shalt  }
0x5e: {  	_ =	shalt  }
0x5f: {  	_ =	shalt  }
0x60: {  	_ =	shalt  }
0x61: {  	_ =	shalt  }
0x62: {  	_ =	shalt  }
0x63: {  	_ =	shalt  }
0x64: {  	_ =	shalt  }
0x65: {  	_ =	shalt  }
0x66: {  	_ =	shalt  }
0x67: {  	_ =	shalt  }
0x68: {  	_ =	shalt  }
0x69: {  	_ =	shalt  }
0x6a: {  	_ =	shalt  }
0x6b: {  	_ =	shalt  }
0x6c: {  	_ =	shalt  }
0x6d: {  	_ =	shalt  }
0x6e: {  	_ =	shalt  }
0x6f: {  	_ =	shalt  }
0x70: {  	_ =	shalt  }
0x71: {  	_ =	shalt  }
0x72: {  	_ =	shalt  }
0x73: {  	_ =	shalt  }
0x74: {  	_ =	shalt  }
0x75: {  	_ =	shalt  }
0x76: {  	_ =	shalt  }
0x77: {  	_ =	shalt  }
0x78: {  	_ =	shalt  }
0x79: {  	_ =	shalt  }
0x7a: {  	_ =	shalt  }
0x7b: {  	_ =	shalt  }
0x7c: {  	_ =	shalt  }
0x7d: {  	_ =	shalt  }
0x7e: {  	_ =	shalt  }
0x7f: {  	_ =	shalt  }
0x80: {  	_ =	shalt  }
0x81: {  	_ =	shalt  }
0x82: {  	_ =	shalt  }
0x83: {  	_ =	shalt  }
0x84: {  	_ =	shalt  }
0x85: {  	_ =	shalt  }
0x86: {  	_ =	shalt  }
0x87: {  	_ =	shalt  }
.Lfunc_end0:
.L_simem_size_0:
called_computation.1_lowered:
.L_overlay_start_0:
0x88: {  	s2 =	sld [smem:$0x3FD9]  }
0x89: {  	s3 =	sld [smem:$0x3FFE];
	_ =	sdelay $0x1  }
0x8a: {  	s1 =	srdreg.scid  }
0x8b: {  	s0 =	sand.u32 $0x1, s1  }
0x8c: {  	s17 =	sshll.u32 s0, $0xA;
	s2 =	sadd.s32 s3, s2  }
0x8d: {  	s2 =	sadd.s32 s2, s17  }
0x8e: {  	[smem:$0x3FC6] =	sst s2  }
0x8f: {  	_ = 	snop  }
0x90: {  	s2 =	sld [smem:$0x3FC9]  }
0x91: {  	s18 =	sld [smem:$0x3FD0];
	(tm) =	ssettm $0x1  }
0x92: {  	s4 =	sld [smem:$0x3FFB];
	_ =	sdelay $0x3  }
0x93: {  	_ =	strace s4  }
0x94: {  	s4 =	sld [smem:$0x3FFC];
	_ =	sdelay $0x3  }
0x95: {  	_ =	strace s4  }
0x96: {  	s4 =	sld [smem:$0x3FFD];
	_ =	sdelay $0x3  }
0x97: {  	_ =	strace s4  }
0x98: {  	_ =	strace $0x8FFFFFFF  }
0x99: {  	s19 =	sld [smem:$0x3FDB];
	_ =	sdelay $0x1  }
0x9a: {  	s5 =	simm.s32 $_scs_section_size  }
0x9b: {  	s6 =	simm.s32 $_size__tile_overlayer_lowered;
	s7 =	simm.s32 $_tile_overlayer_lowered  }
0x9c: {  	s22 =	simm.s32 $0x1BFF;
	s21 =	sshll.u32 s7, $0x1;
	s4 =	sadd.s32 s5, s19  }
0x9d: {  	s8 =	simm.s32 $0x0;
	s20 =	sshll.u32 s6, $0x1;
	s6 =	sadd.s32 s21, s4  }
0x9e: {  	[timem:s8], [sflag:s22] =	dma.local [hbm:s6], s20  }
0x9f: {  	_ =	swait.ge [sflag:s22], s20  }
0xa0: {  	s5 =	ssub.s32 $0x0, s20;
	[sflag:s22] =	ssyncset.done $0x0  }
0xa1: {  	[sflag:s22] =	ssyncadd.s32 s5;
	_ =	sdelay $0x1  }
0xa2: {  	s23 =	simm.s32 $0x1B8B  }
0xa3: {  	_ =	swait.ge [sflag:s23], $0x1  }
0xa4: {  	[sflag:s23] =	ssyncset.done $0x0  }
0xa5: {  	s25 =	simm.s32 $0x1B8E;
	s24 =	sld [smem:$0x3FFE];
	[sflag:s23] =	ssyncadd.s32 $0xFFFFFFFF  }
0xa6: {  	s26 =	simm.s32 $execute0_lowered;
	[smem:$0x3FD2] =	sst s25  }
0xa7: {  	s6 =	sshll.u32 s26, $0x1;
	_ =	strace $0x80000046;
	[dreg:$0x1] =	wrdreg $0xFFFFFFFF  }
0xa8: {  	s28 =	simm.s32 $_size_execute0_lowered;
	s4 =	sadd.s32 s4, s6;
	[dreg:$0x0] =	wrdreg $0x0  }
0xa9: {  	s6 =	sshll.u32 s28, $0x1;
	[dreg:$0x2] =	wrdreg s4  }
0xaa: {  	[dreg:$0x3] =	wrdreg s6  }
0xab: {  	[dreg:$0x4] =	wrdreg $0xC0  }
0xac: {  	_ =	task [dreg:s8], $0x5FFFF  }
0xad: {  	[dreg:$0x1] =	wrdreg $0xFFFFFFFF  }
0xae: {  	[dreg:$0x0] =	wrdreg $0x60  }
0xaf: {  	[dreg:$0x2] =	wrdreg s2  }
0xb0: {  	[dreg:$0x3] =	wrdreg s24  }
0xb1: {  	[dreg:$0x4] =	wrdreg s18  }
0xb2: {  	[dreg:$0x5] =	wrdreg $0x9  }
0xb3: {  	_ =	task.clear_ibuf [dreg:s8], $0x6FFFF;
	_ =	strace $0x90000046  }
0xb4: {  	s29 =	simm.s32 $0x9;
	_ =	strace $0x80000048  }
0xb5: {  	_ =	swait.ge [sflag:s29], $0x1  }
0xb6: {  	[sflag:s29] =	ssyncadd.s32 $0xFFFFFFFF  }
0xb7: {  	_ =	strace $0x90000048  }
0xb8: {  	_ =	sfence  }
0xb9: {  	s30 =	sld [smem:$0x0];
	_ =	sdelay $0x2  }
0xba: {  	s31 =	sshll.u32 s1, $0xD;
	s1 =	sshrl.u32 s1, $0x2  }
0xbb: {  	s3 =	sand.u32 $0x4000, s31;
	s1 =	sadd.s32 s1, s30  }
0xbc: {  	s0 =	sor.u32 s3, s0;
	s1 =	sshll.u32 s1, $0x11  }
0xbd: {  	s0 =	sor.u32 s1, s0  }
0xbe: {  	s0 =	sadd.s32 $0x8F2B, s0  }
0xbf: {  	[sflag:s0] =	ssyncadd.remote.s32 $0x1  }
0xc0: {  	_ =	sfence.sel $0xFFFF  }
0xc1: {  	[dreg:$0x0] =	wrdreg $0xFFFFFFFF;
	(pc) =	sbr.abs _section_cstart, $3  }
0xc2: {  	[dreg:$0x1] =	wrdreg $0xFFFFFFFF  }
0xc3: {  	_ =	task.clear_ibuf [dreg:s8], $0x2FFFF;
	_ =	strace $0x9FFFFFFF  }
0xc4: {  	(tm) =	ssettm $0x7FFFFFFF  }
0xc5: {  	_ =	shalt  }
tec
execute0_lowered:
.L_overlay_start_1:
0x0: {  	(tag) =	ssettag $0x1  }
0x1: {  	s0 =	srdreg.scid;
	s1 =	rddreg [dreg:$0x0]  }
0x2: {  	s12 =	stileid.u32;
	s4 =	rddreg [dreg:$0x1];
	s3 =	simm.s32 $0x0  }
0x3: {  	s13 =	simm.s32 $0x3400;
	s14 =	simm.s32 $0x5400;
	s16 =	simm.s32 $0x7400  }
0x4: {  	s18 =	simm.s32 $0x9400;
	s19 =	simm.s32 $0x200;
	s20 =	simm.s32 $0xB400  }
0x5: {  	s21 =	simm.s32 $0x280;
	s22 =	simm.s32 $0xD400;
	s23 =	simm.s32 $0x300  }
0x6: {  	s24 =	simm.s32 $0xF400;
	s28 =	simm.s32 $0x1;
	s9 =	smul.u32 $0x34000, s12  }
0x7: {  	s0 =	sand.u32 $0x1, s0;
	s2 =	sshll.u32 s12, $0x1;
	s12 =	smul.u32 $0x1A0000, s12  }
0x8: {  	s29 =	simm.s32 $0x2;
	s30 =	simm.s32 $0x0;
	s11 =	smul.u32 $0x1A000, s0  }
0x9: {  	s5 =	sor.u32 s0, s2;
	s8 =	ssub.s32 $0x2, s0;
	s0 =	smul.u32 $0xD0000, s0  }
0xa: {  	[smem:$0x7FF] =	sst s3;
	s4 =	sadd.s32 $0xF42C00, s4;
	s6 =	smul.u32 $0x680, s5  }
0xb: {  	s2 =	rddreg [dreg:$0x2];
	_ =	strace $0x80000047;
	s7 =	smul.u32 $0x1A000, s5  }
0xc: {  	s5 =	smul.u32 $0xD0000, s5;
	s10 =	sshrl.u32 s8, $0x1;
	s31 =	sadd.s32 s9, s2  }
0xd: {  	s8 =	ssub.s32 s8, s10;
	s0 =	sadd.s32 s0, s12;
	s12 =	simm.s32 $0x80  }
0xe: {  	s25 =	sshrl.u32 s5, $0x3;
	s5 =	sadd.s32 s1, s6;
	s6 =	sadd.s32 s2, s7  }
0xf: {  	s8 =	smax.u32 s8, $0x1;
	s1 =	sadd.s32 s11, s31;
	s10 =	sadd.s32 $0x10000, s0  }
0x10: {  	s11 =	simm.s32 $0x3;
	s26 =	sadd.s32 s2, s25;
	s9 =	sadd.s32 $0x1000, s1  }
0x11: {  	s25 =	simm.s32 $0x380;
	s7 =	sadd.s32 $0x19000, s26;
	s26 =	simm.s32 $0x11400  }
.LBB2_1:
0x12: {  	[tilespmem:s3], [sflag:$0x3] =	stream.linear.gather [hbm4b:s5+s3], $0x3400, $0x38;
	[tilespmem:$0x13400] =	vst v63  }
0x13: {  	_ =	swait.ge [sflag:s11], $0x3400  }
0x14: {  	[sflag:s11] =	ssyncset.done $0x0  }
0x15: {  	[sflag:s11] =	ssyncadd.s32 $0xFFFFCC00  }
0x16: {  	[tilespmem:s13], [sflag:$0x1] =	stream.indirect.gather [hbm4b:s4+s12], $0x40, s3, s12, $0xb8;
	[tilespmem:$0x13400] =	vst v63  }
0x17: {  	_ = 	snop  }
0x18: {  	[tilespmem:s14], [sflag:$0x1] =	stream.indirect.gather [hbm4b:s4+s12], $0x40, s12, s12, $0xb8;
	[tilespmem:$0x13400] =	vst v63  }
0x19: {  	s0 =	simm.s32 $0x100  }
0x1a: {  	[tilespmem:s16], [sflag:$0x1] =	stream.indirect.gather [hbm4b:s4+s12], $0x40, s0, s12, $0xb8;
	[tilespmem:$0x13400] =	vst v63  }
0x1b: {  	s17 =	simm.s32 $0x180  }
0x1c: {  	[tilespmem:s18], [sflag:$0x1] =	stream.indirect.gather [hbm4b:s4+s12], $0x40, s17, s12, $0xb8;
	[tilespmem:$0x13400] =	vst v63  }
0x1d: {  	_ = 	snop  }
0x1e: {  	[tilespmem:s20], [sflag:$0x1] =	stream.indirect.gather [hbm4b:s4+s12], $0x40, s19, s12, $0xb8;
	[tilespmem:$0x13400] =	vst v63  }
0x1f: {  	_ = 	snop  }
0x20: {  	[tilespmem:s22], [sflag:$0x1] =	stream.indirect.gather [hbm4b:s4+s12], $0x40, s21, s12, $0xb8;
	[tilespmem:$0x13400] =	vst v63  }
0x21: {  	_ = 	snop  }
0x22: {  	[tilespmem:s24], [sflag:$0x1] =	stream.indirect.gather [hbm4b:s4+s12], $0x40, s23, s12, $0xb8;
	[tilespmem:$0x13400] =	vst v63  }
0x23: {  	_ = 	snop  }
0x24: {  	[tilespmem:s26], [sflag:$0x1] =	stream.indirect.gather [hbm4b:s4+s12], $0x40, s25, s12, $0xb8;
	[tilespmem:$0x13400] =	vst v63  }
0x25: {  	_ =	swait.ge [sflag:s28], $0x2000  }
0x26: {  	[sflag:s28] =	ssyncset.done $0x0  }
0x27: {  	[sflag:s28] =	ssyncadd.s32 $0xFFFFE000  }
0x28: {  	_ =	swait.ge [sflag:s28], $0x2000  }
0x29: {  	[sflag:s28] =	ssyncset.done $0x0  }
0x2a: {  	[sflag:s28] =	ssyncadd.s32 $0xFFFFE000  }
0x2b: {  	_ =	swait.ge [sflag:s28], $0x2000  }
0x2c: {  	[sflag:s28] =	ssyncset.done $0x0  }
0x2d: {  	[sflag:s28] =	ssyncadd.s32 $0xFFFFE000  }
0x2e: {  	_ =	swait.ge [sflag:s28], $0x2000  }
0x2f: {  	[sflag:s28] =	ssyncset.done $0x0  }
0x30: {  	[sflag:s28] =	ssyncadd.s32 $0xFFFFE000  }
0x31: {  	[hbm4b:s6+s3] =	stream.linear.scatter [tilespmem:s13], [sflag:$0x2], $0x8000, $0x38;
	[tilespmem:$0x13400] =	vst v63  }
0x32: {  	_ =	swait.ge [sflag:s29], $0x8000  }
0x33: {  	[sflag:s29] =	ssyncset.done $0x0  }
0x34: {  	s1 =	simm.s32 $0x400;
	[sflag:s29] =	ssyncadd.s32 $0xFFFF8000  }
0x35: {  	[tilespmem:s13], [sflag:$0x1] =	stream.indirect.gather [hbm4b:s4+s12], $0x40, s1, s12, $0xb8;
	[tilespmem:$0x13400] =	vst v63  }
0x36: {  	s15 =	simm.s32 $0x480  }
0x37: {  	[tilespmem:s14], [sflag:$0x1] =	stream.indirect.gather [hbm4b:s4+s12], $0x40, s15, s12, $0xb8;
	[tilespmem:$0x13400] =	vst v63  }
0x38: {  	s17 =	simm.s32 $0x500  }
0x39: {  	[tilespmem:s16], [sflag:$0x1] =	stream.indirect.gather [hbm4b:s4+s12], $0x40, s17, s12, $0xb8;
	[tilespmem:$0x13400] =	vst v63  }
0x3a: {  	s1 =	simm.s32 $0x580  }
0x3b: {  	[tilespmem:s18], [sflag:$0x1] =	stream.indirect.gather [hbm4b:s4+s12], $0x40, s1, s12, $0xb8;
	[tilespmem:$0x13400] =	vst v63  }
0x3c: {  	_ =	swait.ge [sflag:s28], $0x2000  }
0x3d: {  	[sflag:s28] =	ssyncset.done $0x0  }
0x3e: {  	[sflag:s28] =	ssyncadd.s32 $0xFFFFE000  }
0x3f: {  	_ =	swait.ge [sflag:s28], $0x2000  }
0x40: {  	[sflag:s28] =	ssyncset.done $0x0  }
0x41: {  	[sflag:s28] =	ssyncadd.s32 $0xFFFFE000  }
0x42: {  	_ =	swait.ge [sflag:s28], $0x2000  }
0x43: {  	[sflag:s28] =	ssyncset.done $0x0  }
0x44: {  	[sflag:s28] =	ssyncadd.s32 $0xFFFFE000  }
0x45: {  	_ =	swait.ge [sflag:s28], $0x2000  }
0x46: {  	[sflag:s28] =	ssyncset.done $0x0  }
0x47: {  	[sflag:s28] =	ssyncadd.s32 $0xFFFFE000  }
0x48: {  	[hbm4b:s9+s3] =	stream.linear.scatter [tilespmem:s20], [sflag:$0x2], $0x8000, $0x38;
	[tilespmem:$0x13400] =	vst v63  }
0x49: {  	_ =	swait.ge [sflag:s29], $0x8000  }
0x4a: {  	[sflag:s29] =	ssyncset.done $0x0  }
0x4b: {  	s15 =	simm.s32 $0x600;
	[sflag:s29] =	ssyncadd.s32 $0xFFFF8000  }
0x4c: {  	[tilespmem:s20], [sflag:$0x1] =	stream.indirect.gather [hbm4b:s4+s12], $0x40, s15, s12, $0xb8;
	[tilespmem:$0x13400] =	vst v63  }
0x4d: {  	s17 =	simm.s32 $0x680  }
0x4e: {  	[tilespmem:s22], [sflag:$0x1] =	stream.indirect.gather [hbm4b:s4+s12], $0x40, s17, s12, $0xb8;
	[tilespmem:$0x13400] =	vst v63  }
0x4f: {  	s1 =	simm.s32 $0x700  }
0x50: {  	[tilespmem:s24], [sflag:$0x1] =	stream.indirect.gather [hbm4b:s4+s12], $0x40, s1, s12, $0xb8;
	[tilespmem:$0x13400] =	vst v63  }
0x51: {  	s15 =	simm.s32 $0x780  }
0x52: {  	[tilespmem:s26], [sflag:$0x1] =	stream.indirect.gather [hbm4b:s4+s12], $0x40, s15, s12, $0xb8;
	[tilespmem:$0x13400] =	vst v63  }
0x53: {  	_ =	swait.ge [sflag:s28], $0x2000  }
0x54: {  	[sflag:s28] =	ssyncset.done $0x0  }
0x55: {  	[sflag:s28] =	ssyncadd.s32 $0xFFFFE000  }
0x56: {  	_ =	swait.ge [sflag:s28], $0x2000  }
0x57: {  	[sflag:s28] =	ssyncset.done $0x0  }
0x58: {  	[sflag:s28] =	ssyncadd.s32 $0xFFFFE000  }
0x59: {  	_ =	swait.ge [sflag:s28], $0x2000  }
0x5a: {  	[sflag:s28] =	ssyncset.done $0x0  }
0x5b: {  	[sflag:s28] =	ssyncadd.s32 $0xFFFFE000  }
0x5c: {  	s31 =	simm.s32 $0x1000;
	_ =	swait.ge [sflag:s28], $0x2000  }
0x5d: {  	s0 =	sadd.s32 $0x2000, s9;
	s17 =	sshrl.u32 s10, $0x3;
	[sflag:s28] =	ssyncset.done $0x0  }
0x5e: {  	s1 =	sadd.s32 $0x10000, s10;
	s15 =	sadd.s32 s2, s17;
	[sflag:s28] =	ssyncadd.s32 $0xFFFFE000  }
.LBB2_2:
0x5f: {  	[hbm4b:s15+s3] =	stream.linear.scatter [tilespmem:s13], [sflag:$0x2], $0x8000, $0x38;
	[tilespmem:$0x13400] =	vst v63  }
0x60: {  	s15 =	smov.u32 s31  }
0x61: {  	p0 =	sne.s32 s31, $0xB000;
	s31 =	sadd.s32 $0x1000, s31;
	_ =	swait.ge [sflag:s29], $0x8000  }
0x62: {  	s15 =	sshra.s32 s15, $0x2;
	[sflag:s29] =	ssyncset.done $0x0  }
0x63: {  	s17 =	sadd.s32 $0x400, s15;
	[sflag:s29] =	ssyncadd.s32 $0xFFFF8000  }
0x64: {  	[tilespmem:s13], [sflag:$0x1] =	stream.indirect.gather [hbm4b:s4+s12], $0x40, s17, s12, $0xb8;
	[tilespmem:$0x13400] =	vst v63  }
0x65: {  	s17 =	sadd.s32 $0x480, s15  }
0x66: {  	[tilespmem:s14], [sflag:$0x1] =	stream.indirect.gather [hbm4b:s4+s12], $0x40, s17, s12, $0xb8;
	[tilespmem:$0x13400] =	vst v63  }
0x67: {  	s17 =	sadd.s32 $0x500, s15  }
0x68: {  	[tilespmem:s16], [sflag:$0x1] =	stream.indirect.gather [hbm4b:s4+s12], $0x40, s17, s12, $0xb8;
	[tilespmem:$0x13400] =	vst v63  }
0x69: {  	s17 =	sadd.s32 $0x580, s15  }
0x6a: {  	[tilespmem:s18], [sflag:$0x1] =	stream.indirect.gather [hbm4b:s4+s12], $0x40, s17, s12, $0xb8;
	[tilespmem:$0x13400] =	vst v63  }
0x6b: {  	_ =	swait.ge [sflag:s28], $0x2000  }
0x6c: {  	[sflag:s28] =	ssyncset.done $0x0  }
0x6d: {  	[sflag:s28] =	ssyncadd.s32 $0xFFFFE000  }
0x6e: {  	_ =	swait.ge [sflag:s28], $0x2000  }
0x6f: {  	[sflag:s28] =	ssyncset.done $0x0  }
0x70: {  	[sflag:s28] =	ssyncadd.s32 $0xFFFFE000  }
0x71: {  	_ =	swait.ge [sflag:s28], $0x2000  }
0x72: {  	[sflag:s28] =	ssyncset.done $0x0  }
0x73: {  	[sflag:s28] =	ssyncadd.s32 $0xFFFFE000  }
0x74: {  	_ =	swait.ge [sflag:s28], $0x2000  }
0x75: {  	[sflag:s28] =	ssyncset.done $0x0  }
0x76: {  	[sflag:s28] =	ssyncadd.s32 $0xFFFFE000  }
0x77: {  	[hbm4b:s0+s3] =	stream.linear.scatter [tilespmem:s20], [sflag:$0x2], $0x8000, $0x38;
	[tilespmem:$0x13400] =	vst v63  }
0x78: {  	_ =	swait.ge [sflag:s29], $0x8000  }
0x79: {  	[sflag:s29] =	ssyncset.done $0x0  }
0x7a: {  	s17 =	sadd.s32 $0x600, s15;
	[sflag:s29] =	ssyncadd.s32 $0xFFFF8000  }
0x7b: {  	[tilespmem:s20], [sflag:$0x1] =	stream.indirect.gather [hbm4b:s4+s12], $0x40, s17, s12, $0xb8;
	[tilespmem:$0x13400] =	vst v63  }
0x7c: {  	s17 =	sadd.s32 $0x680, s15  }
0x7d: {  	[tilespmem:s22], [sflag:$0x1] =	stream.indirect.gather [hbm4b:s4+s12], $0x40, s17, s12, $0xb8;
	[tilespmem:$0x13400] =	vst v63  }
0x7e: {  	s17 =	sadd.s32 $0x700, s15  }
0x7f: {  	[tilespmem:s24], [sflag:$0x1] =	stream.indirect.gather [hbm4b:s4+s12], $0x40, s17, s12, $0xb8;
	[tilespmem:$0x13400] =	vst v63  }
0x80: {  	s15 =	sadd.s32 $0x780, s15  }
0x81: {  	[tilespmem:s26], [sflag:$0x1] =	stream.indirect.gather [hbm4b:s4+s12], $0x40, s15, s12, $0xb8;
	[tilespmem:$0x13400] =	vst v63  }
0x82: {  	_ =	swait.ge [sflag:s28], $0x2000  }
0x83: {  	[sflag:s28] =	ssyncset.done $0x0  }
0x84: {  	[sflag:s28] =	ssyncadd.s32 $0xFFFFE000  }
0x85: {  	_ =	swait.ge [sflag:s28], $0x2000  }
0x86: {  	[sflag:s28] =	ssyncset.done $0x0  }
0x87: {  	[sflag:s28] =	ssyncadd.s32 $0xFFFFE000  }
0x88: {  	_ =	swait.ge [sflag:s28], $0x2000  }
.Ltmp0:
0x89: {  	[sflag:s28] =	ssyncset.done $0x0;
	(pc) =	sbr.rel @p0 .LBB2_2-.Ltmp0, $4  }
0x8a: {  	[sflag:s28] =	ssyncadd.s32 $0xFFFFE000  }
0x8b: {  	_ =	swait.ge [sflag:s28], $0x2000  }
0x8c: {  	s15 =	sshrl.u32 s1, $0x3;
	s1 =	sadd.s32 $0x10000, s1;
	[sflag:s28] =	ssyncset.done $0x0  }
0x8d: {  	s0 =	sadd.s32 $0x2000, s0;
	s15 =	sadd.s32 s2, s15;
	[sflag:s28] =	ssyncadd.s32 $0xFFFFE000  }
0x8e: {  	[hbm4b:s15+s3] =	stream.linear.scatter [tilespmem:s13], [sflag:$0x2], $0x8000, $0x38;
	[tilespmem:$0x13400] =	vst v63  }
0x8f: {  	_ =	swait.ge [sflag:s28], $0x2000  }
0x90: {  	[sflag:s28] =	ssyncset.done $0x0  }
0x91: {  	[sflag:s28] =	ssyncadd.s32 $0xFFFFE000  }
0x92: {  	_ =	swait.ge [sflag:s28], $0x2000  }
0x93: {  	[sflag:s28] =	ssyncset.done $0x0  }
0x94: {  	[sflag:s28] =	ssyncadd.s32 $0xFFFFE000  }
0x95: {  	_ =	swait.ge [sflag:s28], $0x2000  }
0x96: {  	[sflag:s28] =	ssyncset.done $0x0  }
0x97: {  	[sflag:s28] =	ssyncadd.s32 $0xFFFFE000  }
0x98: {  	_ =	swait.ge [sflag:s28], $0x2000  }
0x99: {  	[sflag:s28] =	ssyncset.done $0x0  }
0x9a: {  	s30 =	sadd.s32 $0x1, s30;
	[sflag:s28] =	ssyncadd.s32 $0xFFFFE000  }
0x9b: {  	[hbm4b:s7+s3] =	stream.linear.scatter [tilespmem:s20], [sflag:$0x2], $0x8000, $0x38;
	[tilespmem:$0x13400] =	vst v63  }
0x9c: {  	p0 =	sne.s32 s30, s8;
	_ =	swait.ge [sflag:s29], $0x8000  }
.Ltmp1:
0x9d: {  	[sflag:s29] =	ssyncset.done $0x0;
	(pc) =	sbr.rel @p0 .LBB2_1-.Ltmp1, $4  }
0x9e: {  	[sflag:s29] =	ssyncadd.s32 $0xFFFF8000  }
0x9f: {  	_ =	swait.ge [sflag:s29], $0x8000  }
0xa0: {  	[sflag:s29] =	ssyncset.done $0x0  }
0xa1: {  	[sflag:s29] =	ssyncadd.s32 $0xFFFF8000  }
0xa2: {  	_ =	sfence.sel $0x180000  }
0xa3: {  	[bflag:$0x0] =	sbarrier.arrive $0xFFFF  }
0xa4: {  	_ =	strace $0x90000047  }
0xa5: {  	s0 =	stileid.u32;
	[bflag:$0x2] =	sbarrier.arrive $0xFFFF  }
0xa6: {  	p0 =	sne.s32 s0, $0x0;
	s0 =	rddreg [dreg:$0x3]  }
0xa7: {  	s0 =	sadd.s32 @!p0 $0x100000, s0  }
0xa8: {  	[sflag:s0] =	ssyncadd.tile.s32 @!p0 $0x1;
	_ =	shalt  }
.Lfunc_end2:
_tile_overlayer_lowered:
.L_overlay_start_2:
0xa9: {  	(tag) =	ssettag $0x2  }
0xaa: {  	s0 =	rddreg [dreg:$0x0];
	s2 =	stileid.u32  }
0xab: {  	s1 =	rddreg [dreg:$0x1];
	p0 =	sne.s32 s2, $0x0  }
0xac: {  	s3 =	rddreg [dreg:$0x2];
	[bflag:$0x3] =	sbarrier.arrive $0xFFFF;
	s2 =	simm.s32 @!p0 $0x1C03  }
0xad: {  	[timem:s3], [sflag:s2] =	dma.local @!p0 [hbm:s0], s1  }
0xae: {  	s0 =	simm.s32 @!p0 $0x3  }
0xaf: {  	_ =	swait.ge @!p0 [sflag:s0], s1  }
0xb0: {  	s1 =	ssub.s32 @!p0 $0x0, s1;
	[sflag:s0] =	ssyncset.done @!p0 $0x0  }
0xb1: {  	[sflag:s0] =	ssyncadd.s32 @!p0 s1  }
0xb2: {  	[bflag:$0x3] =	sbarrier.arrive $0xFFFF  }
0xb3: {  	_ =	shalt  }

// kernel: sparse-core-data-format-call.cloned.1.call-start
scs
called_computation_lowered:
.L_overlay_start_0:
0x0: {  	s2 =	sld [smem:$0x3FD9]  }
0x1: {  	s3 =	sld [smem:$0x3FFE];
	_ =	sdelay $0x1  }
0x2: {  	s1 =	srdreg.scid  }
0x3: {  	s0 =	sand.u32 $0x1, s1  }
0x4: {  	s18 =	sshll.u32 s0, $0xA;
	s2 =	sadd.s32 s3, s2  }
0x5: {  	s2 =	sadd.s32 s2, s18  }
0x6: {  	[smem:$0x3FC6] =	sst s2  }
0x7: {  	_ = 	snop  }
0x8: {  	s2 =	sld [smem:$0x3FD0];
	(tm) =	ssettm $0x1  }
0x9: {  	s19 =	sld [smem:$0x3FFB];
	_ =	sdelay $0x3  }
0xa: {  	_ =	strace s19  }
0xb: {  	s3 =	sld [smem:$0x3FFC];
	_ =	sdelay $0x3  }
0xc: {  	_ =	strace s3  }
0xd: {  	s3 =	sld [smem:$0x3FFD];
	_ =	sdelay $0x3  }
0xe: {  	_ =	strace s3  }
0xf: {  	_ =	strace $0x8FFFFFFF  }
0x10: {  	s20 =	sld [smem:$0x3FDB];
	_ =	sdelay $0x1  }
0x11: {  	s4 =	simm.s32 $_scs_section_size  }
0x12: {  	s5 =	simm.s32 $_size__tile_overlayer_lowered;
	s6 =	simm.s32 $_tile_overlayer_lowered  }
0x13: {  	s23 =	simm.s32 $0x1BFF;
	s22 =	sshll.u32 s6, $0x1;
	s3 =	sadd.s32 s4, s20  }
0x14: {  	s7 =	simm.s32 $0x0;
	s21 =	sshll.u32 s5, $0x1;
	s5 =	sadd.s32 s22, s3  }
0x15: {  	[timem:s7], [sflag:s23] =	dma.local [hbm:s5], s21  }
0x16: {  	_ =	swait.ge [sflag:s23], s21  }
0x17: {  	s4 =	ssub.s32 $0x0, s21;
	[sflag:s23] =	ssyncset.done $0x0  }
0x18: {  	[sflag:s23] =	ssyncadd.s32 s4;
	_ =	sdelay $0x1  }
0x19: {  	s24 =	simm.s32 $0x1B8B  }
0x1a: {  	_ =	swait.ge [sflag:s24], $0x1  }
0x1b: {  	[sflag:s24] =	ssyncset.done $0x0  }
0x1c: {  	s26 =	simm.s32 $0x1B8E;
	s25 =	sld [smem:$0x3FFE];
	[sflag:s24] =	ssyncadd.s32 $0xFFFFFFFF  }
0x1d: {  	s27 =	simm.s32 $execute0_lowered;
	[smem:$0x3FD2] =	sst s26  }
0x1e: {  	s5 =	sshll.u32 s27, $0x1;
	_ =	strace $0x80000049;
	[dreg:$0x1] =	wrdreg $0xFFFFFFFF  }
0x1f: {  	s28 =	simm.s32 $_size_execute0_lowered;
	s3 =	sadd.s32 s3, s5;
	[dreg:$0x0] =	wrdreg $0x0  }
0x20: {  	s5 =	sshll.u32 s28, $0x1;
	[dreg:$0x2] =	wrdreg s3  }
0x21: {  	[dreg:$0x3] =	wrdreg s5  }
0x22: {  	[dreg:$0x4] =	wrdreg $0xC0  }
0x23: {  	_ =	task [dreg:s7], $0x5FFFF  }
0x24: {  	[dreg:$0x1] =	wrdreg $0xFFFFFFFF  }
0x25: {  	[dreg:$0x0] =	wrdreg $0x60  }
0x26: {  	[dreg:$0x2] =	wrdreg s25  }
0x27: {  	[dreg:$0x3] =	wrdreg s2  }
0x28: {  	[dreg:$0x4] =	wrdreg $0x9  }
0x29: {  	_ =	task.clear_ibuf [dreg:s7], $0x5FFFF;
	_ =	strace $0x90000049  }
0x2a: {  	s29 =	simm.s32 $0x9;
	_ =	strace $0x8000004B  }
0x2b: {  	_ =	swait.ge [sflag:s29], $0x1  }
0x2c: {  	[sflag:s29] =	ssyncadd.s32 $0xFFFFFFFF  }
0x2d: {  	_ =	strace $0x9000004B  }
0x2e: {  	_ =	sfence  }
0x2f: {  	s30 =	sld [smem:$0x0];
	_ =	sdelay $0x2  }
0x30: {  	s31 =	sshll.u32 s1, $0xD;
	s1 =	sshrl.u32 s1, $0x2  }
0x31: {  	s3 =	sand.u32 $0x4000, s31;
	s1 =	sadd.s32 s1, s30  }
0x32: {  	s0 =	sor.u32 s3, s0;
	s1 =	sshll.u32 s1, $0x11  }
0x33: {  	s0 =	sor.u32 s1, s0  }
0x34: {  	s0 =	sadd.s32 $0x8F2B, s0  }
0x35: {  	[sflag:s0] =	ssyncadd.remote.s32 $0x1  }
0x36: {  	_ =	sfence.sel $0xFFFF  }
0x37: {  	[dreg:$0x0] =	wrdreg $0xFFFFFFFF;
	(pc) =	sbr.abs _section_cstart, $3  }
0x38: {  	[dreg:$0x1] =	wrdreg $0xFFFFFFFF  }
0x39: {  	_ =	task.clear_ibuf [dreg:s7], $0x2FFFF;
	_ =	strace $0x9FFFFFFF  }
0x3a: {  	(tm) =	ssettm $0x7FFFFFFF  }
0x3b: {  	_ =	shalt  }
tec
execute0_lowered:
.L_overlay_start_1:
0x0: {  	(tag) =	ssettag $0x1  }
0x1: {  	s0 =	srdreg.scid  }
0x2: {  	s1 =	sshll.u32 s0, $0x4  }
0x3: {  	s4 =	rddreg [dreg:$0x0];
	s0 =	stileid.u32;
	s1 =	sand.u32 $0x10, s1  }
0x4: {  	s2 =	rddreg [dreg:$0x1];
	s7 =	simm.s32 $0x1;
	s1 =	sor.u32 s0, s1  }
0x5: {  	s8 =	simm.s32 $0x2;
	s11 =	simm.s32 $0x0;
	s3 =	sshll.u32 s1, $0x7  }
0x6: {  	s10 =	simm.s32 $0x0;
	s4 =	sadd.s32 $0x800, s4;
	s6 =	ssub.s32 $0x68000, s3  }
.Ltmp0:
0x7: {  	s1 =	rddreg [dreg:$0x2];
	s5 =	sand.u32 $0xF80, s6;
	(pc) =	sbr.rel .LBB1_1-.Ltmp0, $4  }
0x8: {  	_ =	strace $0x8000004A;
	s9 =	smov.u32 s3;
	p0 =	sne.s32 s5, $0x0  }
0x9: {  	s6 =	sshrl.u32 s6, $0xC;
	s5 =	simm.s32 $0x1;
	s7 =	simm.s32 @!p0 $0x0  }
0xa: {  	[sflag:s5] =	ssyncpa.u1 $0x0;
	p0 =	por $0x0, $0x0;
	s6 =	sadd.s32 s7, s6  }
0xb: {  	[sflag:s8] =	ssyncpa.u1 $0x0;
	s8 =	simm.s32 $0x340000;
	s7 =	sadd.s32 $0x1, s6  }
.LBB1_4:
0xc: {  	s14 =	sshll.u32 s11, $0x3  }
0xd: {  	s30 =	sand.u32 $0x7F, s11;
	s15 =	sand.u32 $0xFFFFFC00, s14  }
0xe: {  	s11 =	sor.u32 s30, s15  }
0xf: {  	s15 =	smulhi.u32 $0x4EC4EC4F, s11  }
0x10: {  	s14 =	smulhi.u32 $0x4EC4EC4F, s14  }
0x11: {  	s15 =	sshrl.u32 s15, $0x11  }
0x12: {  	s14 =	sshrl.u32 s14, $0x11;
	s15 =	smul.u32 $0x68000, s15  }
0x13: {  	s14 =	sand.u32 $0x3F, s14  }
0x14: {  	s14 =	smul.u32 $0xD000, s14;
	s11 =	ssub.s32 s11, s15  }
0x15: {  	[tilespmem:s13+$0x810 ss:$0x81] =	vst.msk $0xffff, v2;
	s15 =	sand.u32 $0x7, s11  }
0x16: {  	[tilespmem:s13+$0x1020 ss:$0x81] =	vst.msk $0xffff, v0;
	s14 =	sadd.s32 s2, s14;
	s11 =	sshrl.u32 s11, $0x3;
	s15 =	sshll.u32 s15, $0x12  }
0x17: {  	[tilespmem:s13+$0x0 ss:$0x81] =	vst.msk $0xffff, v1;
	s11 =	sadd.s32 s11, s14;
	s31 =	sor.u32 $0x400, s15  }
0x18: {  	[hbm4b:s11+s31] =	stream.strided.scatter [tilespmem:s12], [sflag:$0x2], $0x2000, s8, s31, $0x20;
	[tilespmem:$0x8080] =	vst v63  }
.LBB1_5:
0x19: {  	s13 =	sadd.s32 $0x1000, s9  }
0x1a: {  	p2 =	sgt.s32 s13, $0x67FFF  }
0x1b: {  	s13 =	smov.u32 @p2 s3;
	p2 =	sne.s32 s10, s7  }
.Ltmp1:
0x1c: {  	p1 =	slt.u32 s10, $0x2;
	(pc) =	sbr.rel @!p2 .LBB1_6-.Ltmp1, $4  }
0x1d: {  	s12 =	simm.s32 @!p1 $0x2  }
0x1e: {  	s14 =	sadd.s32 $0x1, s10;
	_ =	swait.ge @!p1 [sflag:s12], $0x2000  }
0x1f: {  	s11 =	smov.u32 s9;
	p0 =	por !p0, !p0;
	[sflag:s12] =	ssyncset.done @!p1 $0x0  }
0x20: {  	s10 =	smov.u32 s14;
	s9 =	smov.u32 s13;
	[sflag:s12] =	ssyncadd.s32 @!p1 $0xFFFFE000  }
.LBB1_1:
0x21: {  	p1 =	sge.u32 s10, s6  }
0x22: {  	s12 =	sand.u32 @!p1 $0x1FFFFFF, s9  }
0x23: {  	s13 =	smulhi.u32 @!p1 $0x2762763, s12;
	_ =	sdelay $0x1  }
0x24: {  	s13 =	sshrl.u32 @!p1 s13, $0xC  }
0x25: {  	s13 =	smul.u32 @!p1 $0x68000, s13;
	_ =	sdelay $0x1  }
0x26: {  	s31 =	sadd.s32 $0xFFFFFFFF, s10;
	s14 =	sxor.u32 @!p1 $0xFFFFFFFF, s10;
	s12 =	ssub.s32 @!p1 s12, s13  }
0x27: {  	s15 =	simm.s32 @!p1 $0x80;
	s14 =	sshll.u32 @!p1 s14, $0xD;
	s12 =	sshll.u32 @!p1 s12, $0x4  }
0x28: {  	s13 =	sand.u32 @!p1 $0x2000, s14;
	s14 =	simm.s32 @!p1 $0x40;
	s12 =	sadd.s32 @!p1 s4, s12  }
0x29: {  	[tilespmem:s13], [sflag:$0x1] =	stream.strided.gather @!p1 [hbm4b:s12+s14], $0x2000, s15, s14, $0x38;
	[tilespmem:$0x8080] =	vst v63  }
0x2a: {  	p1 =	sge.u32 s31, s6  }
.Ltmp2:
0x2b: {  	_ = 	snop;
	(pc) =	sbr.rel @p1 .LBB1_5-.Ltmp2, $1  }
0x2c: {  	_ =	sdelay $0x3  }
0x2d: {  	s12 =	simm.s32 $0x1  }
0x2e: {  	_ =	swait.ge [sflag:s5], $0x2000;
	s12 =	simm.s32 @!p0 $0x0  }
0x2f: {  	[sflag:s5] =	ssyncset.done $0x0;
	s13 =	sshll.u32 s12, $0xD  }
0x30: {  	[sflag:s5] =	ssyncadd.s32 $0xFFFFE000;
	s16 =	sor.u32 $0x20, s13  }
0x31: {  	s12 =	smul.u32 $0x8100, s12;
	v3 =	vld [tilespmem:s16+$0x10]  }
0x32: {  	s30 =	sand.u32 $0x1, s10;
	v2 =	vld [tilespmem:s16+$0xFFFFFFF0]  }
0x33: {  	s13 =	smul.u32 $0x8100, s30;
	s12 =	sshrl.u32 s12, $0x2;
	v0 =	vld [tilespmem:s16+$0x0]  }
0x34: {  	v1 =	vld [tilespmem:s16+$0xFFFFFFE0];
	s14 =	sor.u32 $0x4000, s12  }
0x35: {  	s31 =	sshrl.u32 s13, $0x2;
	s13 =	sadd.s32 $0x0, s14  }
0x36: {  	s15 =	simm.s32 $0x4;
	s16 =	sadd.s32 $0x40, s16;
	s12 =	sor.u32 $0x4000, s31;
	[tilespmem:s13+$0x1830 ss:$0x81] =	vst.msk $0xffff, v3  }
.LBB1_3:
0x37: {  	v3 =	vld [tilespmem:s16+$0x10];
	p1 =	sne.s32 s15, $0x1FC;
	[tilespmem:s13+$0x810 ss:$0x81] =	vst.msk $0xffff, v2;
	s17 =	smov.u32 s15;
	s15 =	sadd.s32 $0x4, s15  }
.Ltmp3:
0x38: {  	v2 =	vld [tilespmem:s16+$0xFFFFFFF0];
	[tilespmem:s13+$0x1020 ss:$0x81] =	vst.msk $0xffff, v0;
	(pc) =	sbr.rel @p1 .LBB1_3-.Ltmp3, $4  }
0x39: {  	v0 =	vld [tilespmem:s16+$0x0];
	[tilespmem:s13+$0x0 ss:$0x81] =	vst.msk $0xffff, v1  }
0x3a: {  	s13 =	sshra.s32 s17, $0x2;
	v1 =	vld [tilespmem:s16+$0xFFFFFFE0]  }
0x3b: {  	s13 =	sadd.s32 s13, s14  }
0x3c: {  	s16 =	sadd.s32 $0x40, s16;
	[tilespmem:s13+$0x1830 ss:$0x81] =	vst.msk $0xffff, v3  }
.Ltmp4:
0x3d: {  	_ = 	snop;
	(pc) =	sbr.rel .LBB1_4-.Ltmp4, $1  }
0x3e: {  	_ =	sdelay $0x3  }
.LBB1_6:
0x3f: {  	_ =	sfence.sel $0x180000  }
0x40: {  	s2 =	simm.s32 $0x1;
	[bflag:$0x0] =	sbarrier.arrive $0xFFFF  }
0x41: {  	s31 =	simm.s32 $0x2;
	[sflag:s2] =	ssyncpa.u1 $0x1  }
0x42: {  	[sflag:s31] =	ssyncpa.u1 $0x1  }
0x43: {  	p0 =	sne.s32 s0, $0x0;
	_ =	strace $0x9000004A  }
0x44: {  	s0 =	sadd.s32 @!p0 $0x100000, s1;
	[bflag:$0x2] =	sbarrier.arrive $0xFFFF  }
0x45: {  	[sflag:s0] =	ssyncadd.tile.s32 @!p0 $0x1;
	_ =	shalt  }
.Lfunc_end1:
_tile_overlayer_lowered:
.L_overlay_start_2:
0x46: {  	(tag) =	ssettag $0x2  }
0x47: {  	s0 =	rddreg [dreg:$0x0];
	s2 =	stileid.u32  }
0x48: {  	s1 =	rddreg [dreg:$0x1];
	p0 =	sne.s32 s2, $0x0  }
0x49: {  	s3 =	rddreg [dreg:$0x2];
	[bflag:$0x3] =	sbarrier.arrive $0xFFFF;
	s2 =	simm.s32 @!p0 $0x1C01  }
0x4a: {  	[timem:s3], [sflag:s2] =	dma.local @!p0 [hbm:s0], s1  }
0x4b: {  	s0 =	simm.s32 @!p0 $0x1  }
0x4c: {  	_ =	swait.ge @!p0 [sflag:s0], s1  }
0x4d: {  	s1 =	ssub.s32 @!p0 $0x0, s1;
	[sflag:s0] =	ssyncset.done @!p0 $0x0  }
0x4e: {  	[sflag:s0] =	ssyncadd.s32 @!p0 s1  }
0x4f: {  	[bflag:$0x3] =	sbarrier.arrive $0xFFFF  }
0x50: {  	_ =	shalt  }

</sc_bundles>
